<compile_context>
chip_gen: v7x
topology: tpu7x:2x2x1
jax: 0.10.2.dev20260603
libtpu: 0.0.44.dev20260713+nightly
codegen_flags: <defaults>
</compile_context>

<pallas_src>
import functools

import jax
import jax.numpy as jnp
from jax import lax
from jax.experimental import pallas as pl
from jax.experimental.pallas import tpu as pltpu
from jax.experimental.pallas import tpu_sc as plsc

_N = 10000
_D = 128
_E = 320000
_NC = 2
_NS = 16
_NW = _NC * _NS
_EW = _E // _NW
_CH = 128
_K = 80
_NPH = 2
_KP = _K // _NPH
_KP2 = _KP // 2
_PAD = _K * _CH - _EW
_NDUM = 112
_NACC = _N + _NDUM
_RZ = _NACC // _NS

_MESH = dict(core_axis_name="c", subcore_axis_name="s")


@functools.partial(
    pl.kernel,
    mesh=plsc.VectorSubcoreMesh(**_MESH),
    out_type=jax.ShapeDtypeStruct((_NC, _NACC, _D), jnp.float32),
    scratch_types=[
        pltpu.VMEM((_K, _CH), jnp.int32),
        pltpu.VMEM((_CH, _D), jnp.float32),
        pltpu.VMEM_SHARED((_NACC, _D), jnp.float32),
        pltpu.SemaphoreType.DMA,
    ],
)
def _deg_kernel(dst_hbm, z_hbm, ones_hbm, out_hbm, dst_v, ones_v, acc, sem):
    cid = lax.axis_index("c")
    sid = lax.axis_index("s")
    w = cid * _NS + sid
    pltpu.sync_copy(z_hbm, acc.at[pl.ds(sid * _RZ, _RZ)])
    pltpu.sync_copy(dst_hbm.at[w], dst_v)
    pltpu.sync_copy(ones_hbm, ones_v)
    plsc.subcore_barrier()

    def fire(j, carry):
        pltpu.async_copy(ones_v, acc.at[dst_v.at[j]], sem, add=True)
        return carry

    def drain(j, carry):
        pltpu.make_async_copy(ones_v, acc.at[dst_v.at[j]], sem).wait()
        return carry

    lax.fori_loop(0, _K, fire, 0)
    lax.fori_loop(0, _K, drain, 0)
    plsc.subcore_barrier()
    pltpu.sync_copy(acc.at[pl.ds(sid * _RZ, _RZ)],
                    out_hbm.at[cid, pl.ds(sid * _RZ, _RZ)])


@functools.partial(
    pl.kernel,
    mesh=plsc.VectorSubcoreMesh(**_MESH),
    out_type=jax.ShapeDtypeStruct((_NC, _NACC, _D), jnp.float32),
    scratch_types=[
        pltpu.VMEM((_KP, _CH), jnp.int32),
        pltpu.VMEM((_KP, _CH), jnp.int32),
        pltpu.VMEM((_CH, _D), jnp.float32),
        pltpu.VMEM((_CH, _D), jnp.float32),
        pltpu.VMEM_SHARED((_NACC, _D), jnp.float32),
        pltpu.SemaphoreType.DMA,
        pltpu.SemaphoreType.DMA,
    ],
)
def _segsum(h_hbm, src_hbm, dst_hbm, z_hbm, out_hbm,
            src_v, dst_v, rows0, rows1, acc, sem0, sem1):
    cid = lax.axis_index("c")
    sid = lax.axis_index("s")
    w = cid * _NS + sid
    pltpu.sync_copy(z_hbm, acc.at[pl.ds(sid * _RZ, _RZ)])
    plsc.subcore_barrier()

    def pair(i, carry):
        a = 2 * i
        b = a + 1
        pltpu.async_copy(h_hbm.at[src_v.at[b]], rows1, sem1)
        pltpu.make_async_copy(h_hbm.at[src_v.at[a]], rows0, sem0).wait()
        pltpu.sync_copy(rows0, acc.at[dst_v.at[a]], add=True)

        @pl.when(i < _KP2 - 1)
        def _():
            pltpu.async_copy(h_hbm.at[src_v.at[a + 2]], rows0, sem0)

        pltpu.make_async_copy(h_hbm.at[src_v.at[b]], rows1, sem1).wait()
        pltpu.sync_copy(rows1, acc.at[dst_v.at[b]], add=True)
        return carry

    for p in range(_NPH):
        pltpu.sync_copy(src_hbm.at[w, pl.ds(p * _KP, _KP)], src_v)
        pltpu.sync_copy(dst_hbm.at[w, pl.ds(p * _KP, _KP)], dst_v)
        pltpu.async_copy(h_hbm.at[src_v.at[0]], rows0, sem0)
        lax.fori_loop(0, _KP2, pair, 0)
    plsc.subcore_barrier()
    pltpu.sync_copy(acc.at[pl.ds(sid * _RZ, _RZ)],
                    out_hbm.at[cid, pl.ds(sid * _RZ, _RZ)])


_B = 5000
_G = _N // _B


def _dis_block(degp):
    deg = degp[0, :, 0:1] + degp[1, :, 0:1]
    return lax.rsqrt(jnp.maximum(deg, 1.0))


def _tc_lin1_body(x_ref, w_ref, degp_ref, o_ref):
    dis = _dis_block(degp_ref[...])
    o_ref[...] = jnp.dot(x_ref[...], w_ref[...],
                         preferred_element_type=jnp.float32) * dis


def _tc_lin2_body(p_ref, degp_ref, b1_ref, w_ref, o_ref):
    dis = _dis_block(degp_ref[...])
    p = p_ref[...]
    h = jnp.maximum((p[0] + p[1]) * dis + b1_ref[...], 0.0)
    o_ref[...] = jnp.dot(h, w_ref[...],
                         preferred_element_type=jnp.float32) * dis


def _tc_out_body(q_ref, degp_ref, b2_ref, o_ref):
    dis = _dis_block(degp_ref[...])
    q = q_ref[...]
    o_ref[...] = (q[0] + q[1]) * dis + b2_ref[...]


def _tc_lin1(x, W1, degp):
    return pl.pallas_call(
        _tc_lin1_body,
        grid=(_G,),
        in_specs=[
            pl.BlockSpec((_B, _D), lambda i: (i, 0)),
            pl.BlockSpec((_D, _D), lambda i: (0, 0)),
            pl.BlockSpec((_NC, _B, _D), lambda i: (0, i, 0)),
        ],
        out_specs=pl.BlockSpec((_B, _D), lambda i: (i, 0)),
        out_shape=jax.ShapeDtypeStruct((_N, _D), jnp.float32),
    )(x, W1, degp)


def _tc_lin2(p, degp, b1, W2):
    return pl.pallas_call(
        _tc_lin2_body,
        grid=(_G,),
        in_specs=[
            pl.BlockSpec((_NC, _B, _D), lambda i: (0, i, 0)),
            pl.BlockSpec((_NC, _B, _D), lambda i: (0, i, 0)),
            pl.BlockSpec((1, _D), lambda i: (0, 0)),
            pl.BlockSpec((_D, _D), lambda i: (0, 0)),
        ],
        out_specs=pl.BlockSpec((_B, _D), lambda i: (i, 0)),
        out_shape=jax.ShapeDtypeStruct((_N, _D), jnp.float32),
    )(p, degp, b1, W2)


def _tc_out(q, degp, b2):
    return pl.pallas_call(
        _tc_out_body,
        grid=(_G,),
        in_specs=[
            pl.BlockSpec((_NC, _B, _D), lambda i: (0, i, 0)),
            pl.BlockSpec((_NC, _B, _D), lambda i: (0, i, 0)),
            pl.BlockSpec((1, _D), lambda i: (0, 0)),
        ],
        out_specs=pl.BlockSpec((_B, _D), lambda i: (i, 0)),
        out_shape=jax.ShapeDtypeStruct((_N, _D), jnp.float32),
    )(q, degp, b2)


def kernel(x, edge_index, W1, b1, W2, b2):
    src = edge_index[0]
    dst = edge_index[1]
    pad_src = jnp.broadcast_to(
        jnp.arange(_PAD, dtype=jnp.int32) % 16, (_NW, _PAD))
    pad_dst = jnp.broadcast_to(
        jnp.arange(_PAD, dtype=jnp.int32) % _NDUM + _N, (_NW, _PAD))
    srcw = jnp.concatenate(
        [src.reshape(_NW, _EW), pad_src], axis=1).reshape(_NW, _K, _CH)
    dstw = jnp.concatenate(
        [dst.reshape(_NW, _EW), pad_dst], axis=1).reshape(_NW, _K, _CH)
    z128 = jnp.zeros((_RZ, _D), jnp.float32)
    ones128 = jnp.ones((_CH, _D), jnp.float32)

    degp = _deg_kernel(dstw, z128, ones128)
    h1 = _tc_lin1(x, W1, degp)
    p1 = _segsum(h1, srcw, dstw, z128)
    h2 = _tc_lin2(p1, degp, b1.reshape(1, _D), W2)
    p2 = _segsum(h2, srcw, dstw, z128)
    return _tc_out(p2, degp, b2.reshape(1, _D))

# --- scband reference (transcript-rebuilt; emitter-appended) ---
"""Pipeline reference for scband-graph-mae-88957362634899 (READ-ONLY COPY).

The authoritative reference and input builder live on the scoring server;
editing this copy changes nothing except your own understanding.
"""

import jax, jax.numpy as jnp
import numpy as np

N = 10000
E = 320000
D = 128
H = 128


def setup_inputs(seed: int = 0) -> dict:
    key = jax.random.key(seed)
    k1, k2, k3, k4 = jax.random.split(key, 4)
    x = jax.random.normal(k1, (N, D), dtype=jnp.float32)
    edge_index = jax.random.randint(k2, (2, E), 0, N, dtype=jnp.int32)
    W1 = jax.random.normal(k3, (D, H), dtype=jnp.float32) * 0.05
    b1 = jnp.zeros((H,), dtype=jnp.float32)
    W2 = jax.random.normal(k4, (H, H), dtype=jnp.float32) * 0.05
    b2 = jnp.zeros((H,), dtype=jnp.float32)
    return {"x": x, "edge_index": edge_index, "W1": W1, "b1": b1, "W2": W2, "b2": b2}


def _gcn_layer(h, src, dst, deg_inv_sqrt, W, b):
    # linear transform
    h = h @ W
    # symmetric-normalized message passing: gather at src, scatter-add at dst
    norm = deg_inv_sqrt[src] * deg_inv_sqrt[dst]
    msg = h[src] * norm[:, None]
    out = jnp.zeros_like(h).at[dst].add(msg)
    return out + b


def reference(x, edge_index, W1, b1, W2, b2):
    # GraphMAE.forward(x, edge_index) = self.encoder(x, edge_index)
    # Encoder materialized as a 2-layer GCN (in_channels=128 -> hidden=128).
    src = edge_index[0]
    dst = edge_index[1]
    # degree computed on destination nodes (in-degree), clipped for isolated nodes
    deg = jnp.zeros((x.shape[0],), dtype=jnp.float32).at[dst].add(1.0)
    deg_inv_sqrt = jax.lax.rsqrt(jnp.maximum(deg, 1.0))
    h = _gcn_layer(x, src, dst, deg_inv_sqrt, W1, b1)
    h = jax.nn.relu(h)
    out = _gcn_layer(h, src, dst, deg_inv_sqrt, W2, b2)
    return out

if __name__ == "__main__":
    import jax
    _d = setup_inputs()
    print(jax.jit(kernel)(*tuple(_d.values())))

</pallas_src>

<mosaic_0001>
#map = affine_map<(d0, d1) -> (0, 0)>
#map1 = affine_map<(d0, d1) -> (0, 0, 0)>
module attributes {stable_mosaic.version = 14 : i64} {
  func.func @_segsum(%arg0: i32, %arg1: i32, %arg2: memref<10000x128xf32, #tpu.memory_space<hbm>>, %arg3: memref<32x80x128xi32, #tpu.memory_space<hbm>>, %arg4: memref<32x80x128xi32, #tpu.memory_space<hbm>>, %arg5: memref<632x128xf32, #tpu.memory_space<hbm>>, %arg6: memref<2x10112x128xf32, #tpu.memory_space<hbm>>, %arg7: memref<40x128xi32, #tpu.memory_space<vmem>>, %arg8: memref<40x128xi32, #tpu.memory_space<vmem>>, %arg9: memref<128x128xf32, #tpu.memory_space<vmem>>, %arg10: memref<128x128xf32, #tpu.memory_space<vmem>>, %arg11: memref<10112x128xf32, #tpu.memory_space<vmem_shared>>, %arg12: memref<!tpu.dma_semaphore, #tpu.memory_space<semaphore_mem>>, %arg13: memref<!tpu.dma_semaphore, #tpu.memory_space<semaphore_mem>>) attributes {dimension_semantics = [#tpu.dimension_semantics<core_parallel>, #tpu.dimension_semantics<subcore_parallel>], iteration_bounds = array<i64: 2, 16>, scalar_prefetch = 0 : i64, scratch_operands = 7 : i64, tpu.core_type = #tpu.core_type<sc_vector_subcore>, window_params = [{transform_indices = #map}, {transform_indices = #map1}, {transform_indices = #map1}, {transform_indices = #map}, {transform_indices = #map1}]} {
    %mul3A = arith.constant 16 : i32
    %mul3A_0 = arith.muli %arg0, %mul3A : i32
    %add3A = arith.addi %mul3A_0, %arg1 : i32
    %mul3A_1 = arith.constant 632 : i32
    %mul3A_2 = arith.muli %arg1, %mul3A_1 : i32
    "tpu.region"() ({
      %run_scoped3A = tpu.sem_alloc : memref<!tpu.dma_semaphore, #tpu.memory_space<semaphore_mem>>
      %dma_start3A_32 = arith.constant 0 : i32
      %dma_start3A_33 = tpu.memref_slice %arg11[%mul3A_2, %dma_start3A_32] : memref<10112x128xf32, #tpu.memory_space<vmem_shared>> -> memref<632x128xf32, #tpu.memory_space<vmem_shared>>
      tpu.enqueue_dma source(%arg5 : memref<632x128xf32, #tpu.memory_space<hbm>>) target(%dma_start3A_33 : memref<632x128xf32, #tpu.memory_space<vmem_shared>>) target_semaphore(%run_scoped3A : memref<!tpu.dma_semaphore, #tpu.memory_space<semaphore_mem>>)
      %dma_wait3A = arith.constant 0 : i32
      %dma_wait3A_34 = tpu.memref_slice %arg11[%mul3A_2, %dma_wait3A] : memref<10112x128xf32, #tpu.memory_space<vmem_shared>> -> memref<632x128xf32, #tpu.memory_space<vmem_shared>>
      tpu.wait_dma2 semaphore(%run_scoped3A : memref<!tpu.dma_semaphore, #tpu.memory_space<semaphore_mem>>) src(%arg5 : memref<632x128xf32, #tpu.memory_space<hbm>>) dst(%dma_wait3A_34 : memref<632x128xf32, #tpu.memory_space<vmem_shared>>)
      tpu.yield
    }) : () -> ()
    %barrier3A = arith.constant 0 : index
    tpu.barrier barrier_id(%barrier3A)
    "tpu.region"() ({
      %run_scoped3A = tpu.sem_alloc : memref<!tpu.dma_semaphore, #tpu.memory_space<semaphore_mem>>
      %dma_start3A_32 = arith.constant 0 : i32
      %dma_start3A_33 = arith.constant 0 : i32
      %dma_start3A_34 = tpu.memref_slice %arg3[%add3A, %dma_start3A_32, %dma_start3A_33] : memref<32x80x128xi32, #tpu.memory_space<hbm>> -> memref<1x40x128xi32, #tpu.memory_space<hbm>>
      %dma_start3A_35 = tpu.memref_squeeze %dma_start3A_34 : memref<1x40x128xi32, #tpu.memory_space<hbm>> -> memref<40x128xi32, #tpu.memory_space<hbm>>
      %dma_start3A_36 = arith.constant 0 : i32
      %dma_start3A_37 = arith.constant 0 : i32
      %dma_start3A_38 = tpu.memref_slice %arg3[%add3A, %dma_start3A_36, %dma_start3A_37] : memref<32x80x128xi32, #tpu.memory_space<hbm>> -> memref<1x40x128xi32, #tpu.memory_space<hbm>>
      %dma_start3A_39 = tpu.memref_squeeze %dma_start3A_38 : memref<1x40x128xi32, #tpu.memory_space<hbm>> -> memref<40x128xi32, #tpu.memory_space<hbm>>
      tpu.enqueue_dma source(%dma_start3A_39 : memref<40x128xi32, #tpu.memory_space<hbm>>) target(%arg7 : memref<40x128xi32, #tpu.memory_space<vmem>>) target_semaphore(%run_scoped3A : memref<!tpu.dma_semaphore, #tpu.memory_space<semaphore_mem>>)
      %dma_wait3A = arith.constant 0 : i32
      %dma_wait3A_40 = arith.constant 0 : i32
      %dma_wait3A_41 = tpu.memref_slice %arg3[%add3A, %dma_wait3A, %dma_wait3A_40] : memref<32x80x128xi32, #tpu.memory_space<hbm>> -> memref<1x40x128xi32, #tpu.memory_space<hbm>>
      %dma_wait3A_42 = tpu.memref_squeeze %dma_wait3A_41 : memref<1x40x128xi32, #tpu.memory_space<hbm>> -> memref<40x128xi32, #tpu.memory_space<hbm>>
      %dma_wait3A_43 = arith.constant 0 : i32
      %dma_wait3A_44 = arith.constant 0 : i32
      %dma_wait3A_45 = tpu.memref_slice %arg3[%add3A, %dma_wait3A_43, %dma_wait3A_44] : memref<32x80x128xi32, #tpu.memory_space<hbm>> -> memref<1x40x128xi32, #tpu.memory_space<hbm>>
      %dma_wait3A_46 = tpu.memref_squeeze %dma_wait3A_45 : memref<1x40x128xi32, #tpu.memory_space<hbm>> -> memref<40x128xi32, #tpu.memory_space<hbm>>
      tpu.wait_dma2 semaphore(%run_scoped3A : memref<!tpu.dma_semaphore, #tpu.memory_space<semaphore_mem>>) src(%dma_wait3A_46 : memref<40x128xi32, #tpu.memory_space<hbm>>) dst(%arg7 : memref<40x128xi32, #tpu.memory_space<vmem>>)
      tpu.yield
    }) : () -> ()
    "tpu.region"() ({
      %run_scoped3A = tpu.sem_alloc : memref<!tpu.dma_semaphore, #tpu.memory_space<semaphore_mem>>
      %dma_start3A_32 = arith.constant 0 : i32
      %dma_start3A_33 = arith.constant 0 : i32
      %dma_start3A_34 = tpu.memref_slice %arg4[%add3A, %dma_start3A_32, %dma_start3A_33] : memref<32x80x128xi32, #tpu.memory_space<hbm>> -> memref<1x40x128xi32, #tpu.memory_space<hbm>>
      %dma_start3A_35 = tpu.memref_squeeze %dma_start3A_34 : memref<1x40x128xi32, #tpu.memory_space<hbm>> -> memref<40x128xi32, #tpu.memory_space<hbm>>
      %dma_start3A_36 = arith.constant 0 : i32
      %dma_start3A_37 = arith.constant 0 : i32
      %dma_start3A_38 = tpu.memref_slice %arg4[%add3A, %dma_start3A_36, %dma_start3A_37] : memref<32x80x128xi32, #tpu.memory_space<hbm>> -> memref<1x40x128xi32, #tpu.memory_space<hbm>>
      %dma_start3A_39 = tpu.memref_squeeze %dma_start3A_38 : memref<1x40x128xi32, #tpu.memory_space<hbm>> -> memref<40x128xi32, #tpu.memory_space<hbm>>
      tpu.enqueue_dma source(%dma_start3A_39 : memref<40x128xi32, #tpu.memory_space<hbm>>) target(%arg8 : memref<40x128xi32, #tpu.memory_space<vmem>>) target_semaphore(%run_scoped3A : memref<!tpu.dma_semaphore, #tpu.memory_space<semaphore_mem>>)
      %dma_wait3A = arith.constant 0 : i32
      %dma_wait3A_40 = arith.constant 0 : i32
      %dma_wait3A_41 = tpu.memref_slice %arg4[%add3A, %dma_wait3A, %dma_wait3A_40] : memref<32x80x128xi32, #tpu.memory_space<hbm>> -> memref<1x40x128xi32, #tpu.memory_space<hbm>>
      %dma_wait3A_42 = tpu.memref_squeeze %dma_wait3A_41 : memref<1x40x128xi32, #tpu.memory_space<hbm>> -> memref<40x128xi32, #tpu.memory_space<hbm>>
      %dma_wait3A_43 = arith.constant 0 : i32
      %dma_wait3A_44 = arith.constant 0 : i32
      %dma_wait3A_45 = tpu.memref_slice %arg4[%add3A, %dma_wait3A_43, %dma_wait3A_44] : memref<32x80x128xi32, #tpu.memory_space<hbm>> -> memref<1x40x128xi32, #tpu.memory_space<hbm>>
      %dma_wait3A_46 = tpu.memref_squeeze %dma_wait3A_45 : memref<1x40x128xi32, #tpu.memory_space<hbm>> -> memref<40x128xi32, #tpu.memory_space<hbm>>
      tpu.wait_dma2 semaphore(%run_scoped3A : memref<!tpu.dma_semaphore, #tpu.memory_space<semaphore_mem>>) src(%dma_wait3A_46 : memref<40x128xi32, #tpu.memory_space<hbm>>) dst(%arg8 : memref<40x128xi32, #tpu.memory_space<vmem>>)
      tpu.yield
    }) : () -> ()
    %dma_start3A = arith.constant 0 : i32
    %dma_start3A_3 = arith.constant 0 : i32
    %dma_start3A_4 = tpu.memref_slice %arg7[%dma_start3A, %dma_start3A_3] : memref<40x128xi32, #tpu.memory_space<vmem>> -> memref<1x128xi32, #tpu.memory_space<vmem>>
    %dma_start3A_5 = tpu.memref_squeeze %dma_start3A_4 : memref<1x128xi32, #tpu.memory_space<vmem>> -> memref<128xi32, #tpu.memory_space<vmem>>
    %dma_start3A_6 = arith.constant 0 : i32
    %dma_start3A_7 = arith.constant 0 : i32
    %dma_start3A_8 = tpu.memref_slice %arg2[%dma_start3A_6, %dma_start3A_7] : memref<10000x128xf32, #tpu.memory_space<hbm>> -> memref<10000x128xf32, #tpu.memory_space<hbm>>
    tpu.enqueue_indirect_dma source(%dma_start3A_8 : memref<10000x128xf32, #tpu.memory_space<hbm>>) target(%arg9 : memref<128x128xf32, #tpu.memory_space<vmem>>) offsets(%dma_start3A_5 : memref<128xi32, #tpu.memory_space<vmem>>) semaphore(%arg12 : memref<!tpu.dma_semaphore, #tpu.memory_space<semaphore_mem>>)
    %scan3A = arith.constant 0 : i32
    %scan3A_9 = arith.constant 0 : i32
    %scan3A_10 = arith.constant 20 : i32
    %scan3A_11 = arith.addi %scan3A_9, %scan3A_10 : i32
    %scan3A_12 = arith.constant 1 : i32
    scf.for %scan3A_32 = %scan3A_9 to %scan3A_11 step %scan3A_12  : i32 {
      %mul3A_33 = arith.constant 2 : i32
      %mul3A_34 = arith.muli %mul3A_33, %scan3A_32 : i32
      %add3A_35 = arith.constant 1 : i32
      %add3A_36 = arith.addi %mul3A_34, %add3A_35 : i32
      %dma_start3A_37 = arith.constant 0 : i32
      %dma_start3A_38 = tpu.memref_slice %arg7[%add3A_36, %dma_start3A_37] : memref<40x128xi32, #tpu.memory_space<vmem>> -> memref<1x128xi32, #tpu.memory_space<vmem>>
      %dma_start3A_39 = tpu.memref_squeeze %dma_start3A_38 : memref<1x128xi32, #tpu.memory_space<vmem>> -> memref<128xi32, #tpu.memory_space<vmem>>
      %dma_start3A_40 = arith.constant 0 : i32
      %dma_start3A_41 = arith.constant 0 : i32
      %dma_start3A_42 = tpu.memref_slice %arg2[%dma_start3A_40, %dma_start3A_41] : memref<10000x128xf32, #tpu.memory_space<hbm>> -> memref<10000x128xf32, #tpu.memory_space<hbm>>
      tpu.enqueue_indirect_dma source(%dma_start3A_42 : memref<10000x128xf32, #tpu.memory_space<hbm>>) target(%arg10 : memref<128x128xf32, #tpu.memory_space<vmem>>) offsets(%dma_start3A_39 : memref<128xi32, #tpu.memory_space<vmem>>) semaphore(%arg13 : memref<!tpu.dma_semaphore, #tpu.memory_space<semaphore_mem>>)
      %dma_wait3A = arith.constant 0 : i32
      %dma_wait3A_43 = tpu.memref_slice %arg7[%mul3A_34, %dma_wait3A] : memref<40x128xi32, #tpu.memory_space<vmem>> -> memref<1x128xi32, #tpu.memory_space<vmem>>
      %dma_wait3A_44 = tpu.memref_squeeze %dma_wait3A_43 : memref<1x128xi32, #tpu.memory_space<vmem>> -> memref<128xi32, #tpu.memory_space<vmem>>
      %dma_wait3A_45 = arith.constant 0 : i32
      %dma_wait3A_46 = arith.constant 0 : i32
      %dma_wait3A_47 = tpu.memref_slice %arg2[%dma_wait3A_45, %dma_wait3A_46] : memref<10000x128xf32, #tpu.memory_space<hbm>> -> memref<10000x128xf32, #tpu.memory_space<hbm>>
      tpu.wait_indirect_dma semaphore(%arg12 : memref<!tpu.dma_semaphore, #tpu.memory_space<semaphore_mem>>) src(%dma_wait3A_47 : memref<10000x128xf32, #tpu.memory_space<hbm>>) dst(%arg9 : memref<128x128xf32, #tpu.memory_space<vmem>>)
      "tpu.region"() ({
        %run_scoped3A = tpu.sem_alloc : memref<!tpu.dma_semaphore, #tpu.memory_space<semaphore_mem>>
        %dma_start3A_56 = arith.constant 0 : i32
        %dma_start3A_57 = tpu.memref_slice %arg8[%mul3A_34, %dma_start3A_56] : memref<40x128xi32, #tpu.memory_space<vmem>> -> memref<1x128xi32, #tpu.memory_space<vmem>>
        %dma_start3A_58 = tpu.memref_squeeze %dma_start3A_57 : memref<1x128xi32, #tpu.memory_space<vmem>> -> memref<128xi32, #tpu.memory_space<vmem>>
        %dma_start3A_59 = arith.constant 0 : i32
        %dma_start3A_60 = arith.constant 0 : i32
        %dma_start3A_61 = tpu.memref_slice %arg11[%dma_start3A_59, %dma_start3A_60] : memref<10112x128xf32, #tpu.memory_space<vmem_shared>> -> memref<10112x128xf32, #tpu.memory_space<vmem_shared>>
        tpu.enqueue_indirect_dma source(%arg9 : memref<128x128xf32, #tpu.memory_space<vmem>>) target(%dma_start3A_61 : memref<10112x128xf32, #tpu.memory_space<vmem_shared>>) offsets(%dma_start3A_58 : memref<128xi32, #tpu.memory_space<vmem>>) semaphore(%run_scoped3A : memref<!tpu.dma_semaphore, #tpu.memory_space<semaphore_mem>>) {add = true}
        %dma_wait3A_62 = arith.constant 0 : i32
        %dma_wait3A_63 = tpu.memref_slice %arg8[%mul3A_34, %dma_wait3A_62] : memref<40x128xi32, #tpu.memory_space<vmem>> -> memref<1x128xi32, #tpu.memory_space<vmem>>
        %dma_wait3A_64 = tpu.memref_squeeze %dma_wait3A_63 : memref<1x128xi32, #tpu.memory_space<vmem>> -> memref<128xi32, #tpu.memory_space<vmem>>
        %dma_wait3A_65 = arith.constant 0 : i32
        %dma_wait3A_66 = arith.constant 0 : i32
        %dma_wait3A_67 = tpu.memref_slice %arg11[%dma_wait3A_65, %dma_wait3A_66] : memref<10112x128xf32, #tpu.memory_space<vmem_shared>> -> memref<10112x128xf32, #tpu.memory_space<vmem_shared>>
        tpu.wait_indirect_dma semaphore(%run_scoped3A : memref<!tpu.dma_semaphore, #tpu.memory_space<semaphore_mem>>) src(%arg9 : memref<128x128xf32, #tpu.memory_space<vmem>>) dst(%dma_wait3A_67 : memref<10112x128xf32, #tpu.memory_space<vmem_shared>>)
        tpu.yield
      }) : () -> ()
      %lt3A = arith.constant 19 : i32
      %lt3A_48 = arith.cmpi slt, %scan3A_32, %lt3A : i32
      %convert_element_type3A = arith.extui %lt3A_48 : i1 to i32
      %cond3A = arith.constant 0 : i32
      %cond3A_49 = arith.cmpi ne, %convert_element_type3A, %cond3A : i32
      scf.if %cond3A_49 {
        %add3A_56 = arith.constant 2 : i32
        %add3A_57 = arith.addi %mul3A_34, %add3A_56 : i32
        %dma_start3A_58 = arith.constant 0 : i32
        %dma_start3A_59 = tpu.memref_slice %arg7[%add3A_57, %dma_start3A_58] : memref<40x128xi32, #tpu.memory_space<vmem>> -> memref<1x128xi32, #tpu.memory_space<vmem>>
        %dma_start3A_60 = tpu.memref_squeeze %dma_start3A_59 : memref<1x128xi32, #tpu.memory_space<vmem>> -> memref<128xi32, #tpu.memory_space<vmem>>
        %dma_start3A_61 = arith.constant 0 : i32
        %dma_start3A_62 = arith.constant 0 : i32
        %dma_start3A_63 = tpu.memref_slice %arg2[%dma_start3A_61, %dma_start3A_62] : memref<10000x128xf32, #tpu.memory_space<hbm>> -> memref<10000x128xf32, #tpu.memory_space<hbm>>
        tpu.enqueue_indirect_dma source(%dma_start3A_63 : memref<10000x128xf32, #tpu.memory_space<hbm>>) target(%arg9 : memref<128x128xf32, #tpu.memory_space<vmem>>) offsets(%dma_start3A_60 : memref<128xi32, #tpu.memory_space<vmem>>) semaphore(%arg12 : memref<!tpu.dma_semaphore, #tpu.memory_space<semaphore_mem>>)
      } else {
      }
      %dma_wait3A_50 = arith.constant 0 : i32
      %dma_wait3A_51 = tpu.memref_slice %arg7[%add3A_36, %dma_wait3A_50] : memref<40x128xi32, #tpu.memory_space<vmem>> -> memref<1x128xi32, #tpu.memory_space<vmem>>
      %dma_wait3A_52 = tpu.memref_squeeze %dma_wait3A_51 : memref<1x128xi32, #tpu.memory_space<vmem>> -> memref<128xi32, #tpu.memory_space<vmem>>
      %dma_wait3A_53 = arith.constant 0 : i32
      %dma_wait3A_54 = arith.constant 0 : i32
      %dma_wait3A_55 = tpu.memref_slice %arg2[%dma_wait3A_53, %dma_wait3A_54] : memref<10000x128xf32, #tpu.memory_space<hbm>> -> memref<10000x128xf32, #tpu.memory_space<hbm>>
      tpu.wait_indirect_dma semaphore(%arg13 : memref<!tpu.dma_semaphore, #tpu.memory_space<semaphore_mem>>) src(%dma_wait3A_55 : memref<10000x128xf32, #tpu.memory_space<hbm>>) dst(%arg10 : memref<128x128xf32, #tpu.memory_space<vmem>>)
      "tpu.region"() ({
        %run_scoped3A = tpu.sem_alloc : memref<!tpu.dma_semaphore, #tpu.memory_space<semaphore_mem>>
        %dma_start3A_56 = arith.constant 0 : i32
        %dma_start3A_57 = tpu.memref_slice %arg8[%add3A_36, %dma_start3A_56] : memref<40x128xi32, #tpu.memory_space<vmem>> -> memref<1x128xi32, #tpu.memory_space<vmem>>
        %dma_start3A_58 = tpu.memref_squeeze %dma_start3A_57 : memref<1x128xi32, #tpu.memory_space<vmem>> -> memref<128xi32, #tpu.memory_space<vmem>>
        %dma_start3A_59 = arith.constant 0 : i32
        %dma_start3A_60 = arith.constant 0 : i32
        %dma_start3A_61 = tpu.memref_slice %arg11[%dma_start3A_59, %dma_start3A_60] : memref<10112x128xf32, #tpu.memory_space<vmem_shared>> -> memref<10112x128xf32, #tpu.memory_space<vmem_shared>>
        tpu.enqueue_indirect_dma source(%arg10 : memref<128x128xf32, #tpu.memory_space<vmem>>) target(%dma_start3A_61 : memref<10112x128xf32, #tpu.memory_space<vmem_shared>>) offsets(%dma_start3A_58 : memref<128xi32, #tpu.memory_space<vmem>>) semaphore(%run_scoped3A : memref<!tpu.dma_semaphore, #tpu.memory_space<semaphore_mem>>) {add = true}
        %dma_wait3A_62 = arith.constant 0 : i32
        %dma_wait3A_63 = tpu.memref_slice %arg8[%add3A_36, %dma_wait3A_62] : memref<40x128xi32, #tpu.memory_space<vmem>> -> memref<1x128xi32, #tpu.memory_space<vmem>>
        %dma_wait3A_64 = tpu.memref_squeeze %dma_wait3A_63 : memref<1x128xi32, #tpu.memory_space<vmem>> -> memref<128xi32, #tpu.memory_space<vmem>>
        %dma_wait3A_65 = arith.constant 0 : i32
        %dma_wait3A_66 = arith.constant 0 : i32
        %dma_wait3A_67 = tpu.memref_slice %arg11[%dma_wait3A_65, %dma_wait3A_66] : memref<10112x128xf32, #tpu.memory_space<vmem_shared>> -> memref<10112x128xf32, #tpu.memory_space<vmem_shared>>
        tpu.wait_indirect_dma semaphore(%run_scoped3A : memref<!tpu.dma_semaphore, #tpu.memory_space<semaphore_mem>>) src(%arg10 : memref<128x128xf32, #tpu.memory_space<vmem>>) dst(%dma_wait3A_67 : memref<10112x128xf32, #tpu.memory_space<vmem_shared>>)
        tpu.yield
      }) : () -> ()
    }
    %scan3A_13 = arith.constant 20 : i32
    "tpu.region"() ({
      %run_scoped3A = tpu.sem_alloc : memref<!tpu.dma_semaphore, #tpu.memory_space<semaphore_mem>>
      %dma_start3A_32 = arith.constant 40 : i32
      %dma_start3A_33 = arith.constant 0 : i32
      %dma_start3A_34 = tpu.memref_slice %arg3[%add3A, %dma_start3A_32, %dma_start3A_33] : memref<32x80x128xi32, #tpu.memory_space<hbm>> -> memref<1x40x128xi32, #tpu.memory_space<hbm>>
      %dma_start3A_35 = tpu.memref_squeeze %dma_start3A_34 : memref<1x40x128xi32, #tpu.memory_space<hbm>> -> memref<40x128xi32, #tpu.memory_space<hbm>>
      %dma_start3A_36 = arith.constant 40 : i32
      %dma_start3A_37 = arith.constant 0 : i32
      %dma_start3A_38 = tpu.memref_slice %arg3[%add3A, %dma_start3A_36, %dma_start3A_37] : memref<32x80x128xi32, #tpu.memory_space<hbm>> -> memref<1x40x128xi32, #tpu.memory_space<hbm>>
      %dma_start3A_39 = tpu.memref_squeeze %dma_start3A_38 : memref<1x40x128xi32, #tpu.memory_space<hbm>> -> memref<40x128xi32, #tpu.memory_space<hbm>>
      tpu.enqueue_dma source(%dma_start3A_39 : memref<40x128xi32, #tpu.memory_space<hbm>>) target(%arg7 : memref<40x128xi32, #tpu.memory_space<vmem>>) target_semaphore(%run_scoped3A : memref<!tpu.dma_semaphore, #tpu.memory_space<semaphore_mem>>)
      %dma_wait3A = arith.constant 40 : i32
      %dma_wait3A_40 = arith.constant 0 : i32
      %dma_wait3A_41 = tpu.memref_slice %arg3[%add3A, %dma_wait3A, %dma_wait3A_40] : memref<32x80x128xi32, #tpu.memory_space<hbm>> -> memref<1x40x128xi32, #tpu.memory_space<hbm>>
      %dma_wait3A_42 = tpu.memref_squeeze %dma_wait3A_41 : memref<1x40x128xi32, #tpu.memory_space<hbm>> -> memref<40x128xi32, #tpu.memory_space<hbm>>
      %dma_wait3A_43 = arith.constant 40 : i32
      %dma_wait3A_44 = arith.constant 0 : i32
      %dma_wait3A_45 = tpu.memref_slice %arg3[%add3A, %dma_wait3A_43, %dma_wait3A_44] : memref<32x80x128xi32, #tpu.memory_space<hbm>> -> memref<1x40x128xi32, #tpu.memory_space<hbm>>
      %dma_wait3A_46 = tpu.memref_squeeze %dma_wait3A_45 : memref<1x40x128xi32, #tpu.memory_space<hbm>> -> memref<40x128xi32, #tpu.memory_space<hbm>>
      tpu.wait_dma2 semaphore(%run_scoped3A : memref<!tpu.dma_semaphore, #tpu.memory_space<semaphore_mem>>) src(%dma_wait3A_46 : memref<40x128xi32, #tpu.memory_space<hbm>>) dst(%arg7 : memref<40x128xi32, #tpu.memory_space<vmem>>)
      tpu.yield
    }) : () -> ()
    "tpu.region"() ({
      %run_scoped3A = tpu.sem_alloc : memref<!tpu.dma_semaphore, #tpu.memory_space<semaphore_mem>>
      %dma_start3A_32 = arith.constant 40 : i32
      %dma_start3A_33 = arith.constant 0 : i32
      %dma_start3A_34 = tpu.memref_slice %arg4[%add3A, %dma_start3A_32, %dma_start3A_33] : memref<32x80x128xi32, #tpu.memory_space<hbm>> -> memref<1x40x128xi32, #tpu.memory_space<hbm>>
      %dma_start3A_35 = tpu.memref_squeeze %dma_start3A_34 : memref<1x40x128xi32, #tpu.memory_space<hbm>> -> memref<40x128xi32, #tpu.memory_space<hbm>>
      %dma_start3A_36 = arith.constant 40 : i32
      %dma_start3A_37 = arith.constant 0 : i32
      %dma_start3A_38 = tpu.memref_slice %arg4[%add3A, %dma_start3A_36, %dma_start3A_37] : memref<32x80x128xi32, #tpu.memory_space<hbm>> -> memref<1x40x128xi32, #tpu.memory_space<hbm>>
      %dma_start3A_39 = tpu.memref_squeeze %dma_start3A_38 : memref<1x40x128xi32, #tpu.memory_space<hbm>> -> memref<40x128xi32, #tpu.memory_space<hbm>>
      tpu.enqueue_dma source(%dma_start3A_39 : memref<40x128xi32, #tpu.memory_space<hbm>>) target(%arg8 : memref<40x128xi32, #tpu.memory_space<vmem>>) target_semaphore(%run_scoped3A : memref<!tpu.dma_semaphore, #tpu.memory_space<semaphore_mem>>)
      %dma_wait3A = arith.constant 40 : i32
      %dma_wait3A_40 = arith.constant 0 : i32
      %dma_wait3A_41 = tpu.memref_slice %arg4[%add3A, %dma_wait3A, %dma_wait3A_40] : memref<32x80x128xi32, #tpu.memory_space<hbm>> -> memref<1x40x128xi32, #tpu.memory_space<hbm>>
      %dma_wait3A_42 = tpu.memref_squeeze %dma_wait3A_41 : memref<1x40x128xi32, #tpu.memory_space<hbm>> -> memref<40x128xi32, #tpu.memory_space<hbm>>
      %dma_wait3A_43 = arith.constant 40 : i32
      %dma_wait3A_44 = arith.constant 0 : i32
      %dma_wait3A_45 = tpu.memref_slice %arg4[%add3A, %dma_wait3A_43, %dma_wait3A_44] : memref<32x80x128xi32, #tpu.memory_space<hbm>> -> memref<1x40x128xi32, #tpu.memory_space<hbm>>
      %dma_wait3A_46 = tpu.memref_squeeze %dma_wait3A_45 : memref<1x40x128xi32, #tpu.memory_space<hbm>> -> memref<40x128xi32, #tpu.memory_space<hbm>>
      tpu.wait_dma2 semaphore(%run_scoped3A : memref<!tpu.dma_semaphore, #tpu.memory_space<semaphore_mem>>) src(%dma_wait3A_46 : memref<40x128xi32, #tpu.memory_space<hbm>>) dst(%arg8 : memref<40x128xi32, #tpu.memory_space<vmem>>)
      tpu.yield
    }) : () -> ()
    %dma_start3A_14 = arith.constant 0 : i32
    %dma_start3A_15 = arith.constant 0 : i32
    %dma_start3A_16 = tpu.memref_slice %arg7[%dma_start3A_14, %dma_start3A_15] : memref<40x128xi32, #tpu.memory_space<vmem>> -> memref<1x128xi32, #tpu.memory_space<vmem>>
    %dma_start3A_17 = tpu.memref_squeeze %dma_start3A_16 : memref<1x128xi32, #tpu.memory_space<vmem>> -> memref<128xi32, #tpu.memory_space<vmem>>
    %dma_start3A_18 = arith.constant 0 : i32
    %dma_start3A_19 = arith.constant 0 : i32
    %dma_start3A_20 = tpu.memref_slice %arg2[%dma_start3A_18, %dma_start3A_19] : memref<10000x128xf32, #tpu.memory_space<hbm>> -> memref<10000x128xf32, #tpu.memory_space<hbm>>
    tpu.enqueue_indirect_dma source(%dma_start3A_20 : memref<10000x128xf32, #tpu.memory_space<hbm>>) target(%arg9 : memref<128x128xf32, #tpu.memory_space<vmem>>) offsets(%dma_start3A_17 : memref<128xi32, #tpu.memory_space<vmem>>) semaphore(%arg12 : memref<!tpu.dma_semaphore, #tpu.memory_space<semaphore_mem>>)
    %scan3A_21 = arith.constant 0 : i32
    %scan3A_22 = arith.constant 0 : i32
    %scan3A_23 = arith.constant 20 : i32
    %scan3A_24 = arith.addi %scan3A_22, %scan3A_23 : i32
    %scan3A_25 = arith.constant 1 : i32
    scf.for %scan3A_32 = %scan3A_22 to %scan3A_24 step %scan3A_25  : i32 {
      %mul3A_33 = arith.constant 2 : i32
      %mul3A_34 = arith.muli %mul3A_33, %scan3A_32 : i32
      %add3A_35 = arith.constant 1 : i32
      %add3A_36 = arith.addi %mul3A_34, %add3A_35 : i32
      %dma_start3A_37 = arith.constant 0 : i32
      %dma_start3A_38 = tpu.memref_slice %arg7[%add3A_36, %dma_start3A_37] : memref<40x128xi32, #tpu.memory_space<vmem>> -> memref<1x128xi32, #tpu.memory_space<vmem>>
      %dma_start3A_39 = tpu.memref_squeeze %dma_start3A_38 : memref<1x128xi32, #tpu.memory_space<vmem>> -> memref<128xi32, #tpu.memory_space<vmem>>
      %dma_start3A_40 = arith.constant 0 : i32
      %dma_start3A_41 = arith.constant 0 : i32
      %dma_start3A_42 = tpu.memref_slice %arg2[%dma_start3A_40, %dma_start3A_41] : memref<10000x128xf32, #tpu.memory_space<hbm>> -> memref<10000x128xf32, #tpu.memory_space<hbm>>
      tpu.enqueue_indirect_dma source(%dma_start3A_42 : memref<10000x128xf32, #tpu.memory_space<hbm>>) target(%arg10 : memref<128x128xf32, #tpu.memory_space<vmem>>) offsets(%dma_start3A_39 : memref<128xi32, #tpu.memory_space<vmem>>) semaphore(%arg13 : memref<!tpu.dma_semaphore, #tpu.memory_space<semaphore_mem>>)
      %dma_wait3A = arith.constant 0 : i32
      %dma_wait3A_43 = tpu.memref_slice %arg7[%mul3A_34, %dma_wait3A] : memref<40x128xi32, #tpu.memory_space<vmem>> -> memref<1x128xi32, #tpu.memory_space<vmem>>
      %dma_wait3A_44 = tpu.memref_squeeze %dma_wait3A_43 : memref<1x128xi32, #tpu.memory_space<vmem>> -> memref<128xi32, #tpu.memory_space<vmem>>
      %dma_wait3A_45 = arith.constant 0 : i32
      %dma_wait3A_46 = arith.constant 0 : i32
      %dma_wait3A_47 = tpu.memref_slice %arg2[%dma_wait3A_45, %dma_wait3A_46] : memref<10000x128xf32, #tpu.memory_space<hbm>> -> memref<10000x128xf32, #tpu.memory_space<hbm>>
      tpu.wait_indirect_dma semaphore(%arg12 : memref<!tpu.dma_semaphore, #tpu.memory_space<semaphore_mem>>) src(%dma_wait3A_47 : memref<10000x128xf32, #tpu.memory_space<hbm>>) dst(%arg9 : memref<128x128xf32, #tpu.memory_space<vmem>>)
      "tpu.region"() ({
        %run_scoped3A = tpu.sem_alloc : memref<!tpu.dma_semaphore, #tpu.memory_space<semaphore_mem>>
        %dma_start3A_56 = arith.constant 0 : i32
        %dma_start3A_57 = tpu.memref_slice %arg8[%mul3A_34, %dma_start3A_56] : memref<40x128xi32, #tpu.memory_space<vmem>> -> memref<1x128xi32, #tpu.memory_space<vmem>>
        %dma_start3A_58 = tpu.memref_squeeze %dma_start3A_57 : memref<1x128xi32, #tpu.memory_space<vmem>> -> memref<128xi32, #tpu.memory_space<vmem>>
        %dma_start3A_59 = arith.constant 0 : i32
        %dma_start3A_60 = arith.constant 0 : i32
        %dma_start3A_61 = tpu.memref_slice %arg11[%dma_start3A_59, %dma_start3A_60] : memref<10112x128xf32, #tpu.memory_space<vmem_shared>> -> memref<10112x128xf32, #tpu.memory_space<vmem_shared>>
        tpu.enqueue_indirect_dma source(%arg9 : memref<128x128xf32, #tpu.memory_space<vmem>>) target(%dma_start3A_61 : memref<10112x128xf32, #tpu.memory_space<vmem_shared>>) offsets(%dma_start3A_58 : memref<128xi32, #tpu.memory_space<vmem>>) semaphore(%run_scoped3A : memref<!tpu.dma_semaphore, #tpu.memory_space<semaphore_mem>>) {add = true}
        %dma_wait3A_62 = arith.constant 0 : i32
        %dma_wait3A_63 = tpu.memref_slice %arg8[%mul3A_34, %dma_wait3A_62] : memref<40x128xi32, #tpu.memory_space<vmem>> -> memref<1x128xi32, #tpu.memory_space<vmem>>
        %dma_wait3A_64 = tpu.memref_squeeze %dma_wait3A_63 : memref<1x128xi32, #tpu.memory_space<vmem>> -> memref<128xi32, #tpu.memory_space<vmem>>
        %dma_wait3A_65 = arith.constant 0 : i32
        %dma_wait3A_66 = arith.constant 0 : i32
        %dma_wait3A_67 = tpu.memref_slice %arg11[%dma_wait3A_65, %dma_wait3A_66] : memref<10112x128xf32, #tpu.memory_space<vmem_shared>> -> memref<10112x128xf32, #tpu.memory_space<vmem_shared>>
        tpu.wait_indirect_dma semaphore(%run_scoped3A : memref<!tpu.dma_semaphore, #tpu.memory_space<semaphore_mem>>) src(%arg9 : memref<128x128xf32, #tpu.memory_space<vmem>>) dst(%dma_wait3A_67 : memref<10112x128xf32, #tpu.memory_space<vmem_shared>>)
        tpu.yield
      }) : () -> ()
      %lt3A = arith.constant 19 : i32
      %lt3A_48 = arith.cmpi slt, %scan3A_32, %lt3A : i32
      %convert_element_type3A = arith.extui %lt3A_48 : i1 to i32
      %cond3A = arith.constant 0 : i32
      %cond3A_49 = arith.cmpi ne, %convert_element_type3A, %cond3A : i32
      scf.if %cond3A_49 {
        %add3A_56 = arith.constant 2 : i32
        %add3A_57 = arith.addi %mul3A_34, %add3A_56 : i32
        %dma_start3A_58 = arith.constant 0 : i32
        %dma_start3A_59 = tpu.memref_slice %arg7[%add3A_57, %dma_start3A_58] : memref<40x128xi32, #tpu.memory_space<vmem>> -> memref<1x128xi32, #tpu.memory_space<vmem>>
        %dma_start3A_60 = tpu.memref_squeeze %dma_start3A_59 : memref<1x128xi32, #tpu.memory_space<vmem>> -> memref<128xi32, #tpu.memory_space<vmem>>
        %dma_start3A_61 = arith.constant 0 : i32
        %dma_start3A_62 = arith.constant 0 : i32
        %dma_start3A_63 = tpu.memref_slice %arg2[%dma_start3A_61, %dma_start3A_62] : memref<10000x128xf32, #tpu.memory_space<hbm>> -> memref<10000x128xf32, #tpu.memory_space<hbm>>
        tpu.enqueue_indirect_dma source(%dma_start3A_63 : memref<10000x128xf32, #tpu.memory_space<hbm>>) target(%arg9 : memref<128x128xf32, #tpu.memory_space<vmem>>) offsets(%dma_start3A_60 : memref<128xi32, #tpu.memory_space<vmem>>) semaphore(%arg12 : memref<!tpu.dma_semaphore, #tpu.memory_space<semaphore_mem>>)
      } else {
      }
      %dma_wait3A_50 = arith.constant 0 : i32
      %dma_wait3A_51 = tpu.memref_slice %arg7[%add3A_36, %dma_wait3A_50] : memref<40x128xi32, #tpu.memory_space<vmem>> -> memref<1x128xi32, #tpu.memory_space<vmem>>
      %dma_wait3A_52 = tpu.memref_squeeze %dma_wait3A_51 : memref<1x128xi32, #tpu.memory_space<vmem>> -> memref<128xi32, #tpu.memory_space<vmem>>
      %dma_wait3A_53 = arith.constant 0 : i32
      %dma_wait3A_54 = arith.constant 0 : i32
      %dma_wait3A_55 = tpu.memref_slice %arg2[%dma_wait3A_53, %dma_wait3A_54] : memref<10000x128xf32, #tpu.memory_space<hbm>> -> memref<10000x128xf32, #tpu.memory_space<hbm>>
      tpu.wait_indirect_dma semaphore(%arg13 : memref<!tpu.dma_semaphore, #tpu.memory_space<semaphore_mem>>) src(%dma_wait3A_55 : memref<10000x128xf32, #tpu.memory_space<hbm>>) dst(%arg10 : memref<128x128xf32, #tpu.memory_space<vmem>>)
      "tpu.region"() ({
        %run_scoped3A = tpu.sem_alloc : memref<!tpu.dma_semaphore, #tpu.memory_space<semaphore_mem>>
        %dma_start3A_56 = arith.constant 0 : i32
        %dma_start3A_57 = tpu.memref_slice %arg8[%add3A_36, %dma_start3A_56] : memref<40x128xi32, #tpu.memory_space<vmem>> -> memref<1x128xi32, #tpu.memory_space<vmem>>
        %dma_start3A_58 = tpu.memref_squeeze %dma_start3A_57 : memref<1x128xi32, #tpu.memory_space<vmem>> -> memref<128xi32, #tpu.memory_space<vmem>>
        %dma_start3A_59 = arith.constant 0 : i32
        %dma_start3A_60 = arith.constant 0 : i32
        %dma_start3A_61 = tpu.memref_slice %arg11[%dma_start3A_59, %dma_start3A_60] : memref<10112x128xf32, #tpu.memory_space<vmem_shared>> -> memref<10112x128xf32, #tpu.memory_space<vmem_shared>>
        tpu.enqueue_indirect_dma source(%arg10 : memref<128x128xf32, #tpu.memory_space<vmem>>) target(%dma_start3A_61 : memref<10112x128xf32, #tpu.memory_space<vmem_shared>>) offsets(%dma_start3A_58 : memref<128xi32, #tpu.memory_space<vmem>>) semaphore(%run_scoped3A : memref<!tpu.dma_semaphore, #tpu.memory_space<semaphore_mem>>) {add = true}
        %dma_wait3A_62 = arith.constant 0 : i32
        %dma_wait3A_63 = tpu.memref_slice %arg8[%add3A_36, %dma_wait3A_62] : memref<40x128xi32, #tpu.memory_space<vmem>> -> memref<1x128xi32, #tpu.memory_space<vmem>>
        %dma_wait3A_64 = tpu.memref_squeeze %dma_wait3A_63 : memref<1x128xi32, #tpu.memory_space<vmem>> -> memref<128xi32, #tpu.memory_space<vmem>>
        %dma_wait3A_65 = arith.constant 0 : i32
        %dma_wait3A_66 = arith.constant 0 : i32
        %dma_wait3A_67 = tpu.memref_slice %arg11[%dma_wait3A_65, %dma_wait3A_66] : memref<10112x128xf32, #tpu.memory_space<vmem_shared>> -> memref<10112x128xf32, #tpu.memory_space<vmem_shared>>
        tpu.wait_indirect_dma semaphore(%run_scoped3A : memref<!tpu.dma_semaphore, #tpu.memory_space<semaphore_mem>>) src(%arg10 : memref<128x128xf32, #tpu.memory_space<vmem>>) dst(%dma_wait3A_67 : memref<10112x128xf32, #tpu.memory_space<vmem_shared>>)
        tpu.yield
      }) : () -> ()
    }
    %scan3A_26 = arith.constant 20 : i32
    %barrier3A_27 = arith.constant 0 : index
    tpu.barrier barrier_id(%barrier3A_27)
    %mul3A_28 = arith.constant 632 : i32
    %mul3A_29 = arith.muli %arg1, %mul3A_28 : i32
    %mul3A_30 = arith.constant 632 : i32
    %mul3A_31 = arith.muli %arg1, %mul3A_30 : i32
    "tpu.region"() ({
      %run_scoped3A = tpu.sem_alloc : memref<!tpu.dma_semaphore, #tpu.memory_space<semaphore_mem>>
      %dma_start3A_32 = arith.constant 0 : i32
      %dma_start3A_33 = tpu.memref_slice %arg6[%arg0, %mul3A_31, %dma_start3A_32] : memref<2x10112x128xf32, #tpu.memory_space<hbm>> -> memref<1x632x128xf32, #tpu.memory_space<hbm>>
      %dma_start3A_34 = tpu.memref_squeeze %dma_start3A_33 : memref<1x632x128xf32, #tpu.memory_space<hbm>> -> memref<632x128xf32, #tpu.memory_space<hbm>>
      %dma_start3A_35 = arith.constant 0 : i32
      %dma_start3A_36 = tpu.memref_slice %arg11[%mul3A_29, %dma_start3A_35] : memref<10112x128xf32, #tpu.memory_space<vmem_shared>> -> memref<632x128xf32, #tpu.memory_space<vmem_shared>>
      tpu.enqueue_dma source(%dma_start3A_36 : memref<632x128xf32, #tpu.memory_space<vmem_shared>>) target(%dma_start3A_34 : memref<632x128xf32, #tpu.memory_space<hbm>>) target_semaphore(%run_scoped3A : memref<!tpu.dma_semaphore, #tpu.memory_space<semaphore_mem>>)
      %dma_wait3A = arith.constant 0 : i32
      %dma_wait3A_37 = tpu.memref_slice %arg6[%arg0, %mul3A_31, %dma_wait3A] : memref<2x10112x128xf32, #tpu.memory_space<hbm>> -> memref<1x632x128xf32, #tpu.memory_space<hbm>>
      %dma_wait3A_38 = tpu.memref_squeeze %dma_wait3A_37 : memref<1x632x128xf32, #tpu.memory_space<hbm>> -> memref<632x128xf32, #tpu.memory_space<hbm>>
      %dma_wait3A_39 = arith.constant 0 : i32
      %dma_wait3A_40 = tpu.memref_slice %arg11[%mul3A_29, %dma_wait3A_39] : memref<10112x128xf32, #tpu.memory_space<vmem_shared>> -> memref<632x128xf32, #tpu.memory_space<vmem_shared>>
      tpu.wait_dma2 semaphore(%run_scoped3A : memref<!tpu.dma_semaphore, #tpu.memory_space<semaphore_mem>>) src(%dma_wait3A_40 : memref<632x128xf32, #tpu.memory_space<vmem_shared>>) dst(%dma_wait3A_38 : memref<632x128xf32, #tpu.memory_space<hbm>>)
      tpu.yield
    }) : () -> ()
    return
  }
}

#map = affine_map<(d0, d1) -> (0, 0, 0)>
#map1 = affine_map<(d0, d1) -> (0, 0)>
module attributes {stable_mosaic.version = 14 : i64} {
  func.func @_deg_kernel(%arg0: i32, %arg1: i32, %arg2: memref<32x80x128xi32, #tpu.memory_space<hbm>>, %arg3: memref<632x128xf32, #tpu.memory_space<hbm>>, %arg4: memref<128x128xf32, #tpu.memory_space<hbm>>, %arg5: memref<2x10112x128xf32, #tpu.memory_space<hbm>>, %arg6: memref<80x128xi32, #tpu.memory_space<vmem>>, %arg7: memref<128x128xf32, #tpu.memory_space<vmem>>, %arg8: memref<10112x128xf32, #tpu.memory_space<vmem_shared>>, %arg9: memref<!tpu.dma_semaphore, #tpu.memory_space<semaphore_mem>>) attributes {dimension_semantics = [#tpu.dimension_semantics<core_parallel>, #tpu.dimension_semantics<subcore_parallel>], iteration_bounds = array<i64: 2, 16>, scalar_prefetch = 0 : i64, scratch_operands = 4 : i64, tpu.core_type = #tpu.core_type<sc_vector_subcore>, window_params = [{transform_indices = #map}, {transform_indices = #map1}, {transform_indices = #map1}, {transform_indices = #map}]} {
    %mul3A = arith.constant 16 : i32
    %mul3A_0 = arith.muli %arg0, %mul3A : i32
    %add3A = arith.addi %mul3A_0, %arg1 : i32
    %mul3A_1 = arith.constant 632 : i32
    %mul3A_2 = arith.muli %arg1, %mul3A_1 : i32
    "tpu.region"() ({
      %run_scoped3A = tpu.sem_alloc : memref<!tpu.dma_semaphore, #tpu.memory_space<semaphore_mem>>
      %dma_start3A = arith.constant 0 : i32
      %dma_start3A_19 = tpu.memref_slice %arg8[%mul3A_2, %dma_start3A] : memref<10112x128xf32, #tpu.memory_space<vmem_shared>> -> memref<632x128xf32, #tpu.memory_space<vmem_shared>>
      tpu.enqueue_dma source(%arg3 : memref<632x128xf32, #tpu.memory_space<hbm>>) target(%dma_start3A_19 : memref<632x128xf32, #tpu.memory_space<vmem_shared>>) target_semaphore(%run_scoped3A : memref<!tpu.dma_semaphore, #tpu.memory_space<semaphore_mem>>)
      %dma_wait3A = arith.constant 0 : i32
      %dma_wait3A_20 = tpu.memref_slice %arg8[%mul3A_2, %dma_wait3A] : memref<10112x128xf32, #tpu.memory_space<vmem_shared>> -> memref<632x128xf32, #tpu.memory_space<vmem_shared>>
      tpu.wait_dma2 semaphore(%run_scoped3A : memref<!tpu.dma_semaphore, #tpu.memory_space<semaphore_mem>>) src(%arg3 : memref<632x128xf32, #tpu.memory_space<hbm>>) dst(%dma_wait3A_20 : memref<632x128xf32, #tpu.memory_space<vmem_shared>>)
      tpu.yield
    }) : () -> ()
    "tpu.region"() ({
      %run_scoped3A = tpu.sem_alloc : memref<!tpu.dma_semaphore, #tpu.memory_space<semaphore_mem>>
      %dma_start3A = arith.constant 0 : i32
      %dma_start3A_19 = arith.constant 0 : i32
      %dma_start3A_20 = tpu.memref_slice %arg2[%add3A, %dma_start3A, %dma_start3A_19] : memref<32x80x128xi32, #tpu.memory_space<hbm>> -> memref<1x80x128xi32, #tpu.memory_space<hbm>>
      %dma_start3A_21 = tpu.memref_squeeze %dma_start3A_20 : memref<1x80x128xi32, #tpu.memory_space<hbm>> -> memref<80x128xi32, #tpu.memory_space<hbm>>
      %dma_start3A_22 = arith.constant 0 : i32
      %dma_start3A_23 = arith.constant 0 : i32
      %dma_start3A_24 = tpu.memref_slice %arg2[%add3A, %dma_start3A_22, %dma_start3A_23] : memref<32x80x128xi32, #tpu.memory_space<hbm>> -> memref<1x80x128xi32, #tpu.memory_space<hbm>>
      %dma_start3A_25 = tpu.memref_squeeze %dma_start3A_24 : memref<1x80x128xi32, #tpu.memory_space<hbm>> -> memref<80x128xi32, #tpu.memory_space<hbm>>
      tpu.enqueue_dma source(%dma_start3A_25 : memref<80x128xi32, #tpu.memory_space<hbm>>) target(%arg6 : memref<80x128xi32, #tpu.memory_space<vmem>>) target_semaphore(%run_scoped3A : memref<!tpu.dma_semaphore, #tpu.memory_space<semaphore_mem>>)
      %dma_wait3A = arith.constant 0 : i32
      %dma_wait3A_26 = arith.constant 0 : i32
      %dma_wait3A_27 = tpu.memref_slice %arg2[%add3A, %dma_wait3A, %dma_wait3A_26] : memref<32x80x128xi32, #tpu.memory_space<hbm>> -> memref<1x80x128xi32, #tpu.memory_space<hbm>>
      %dma_wait3A_28 = tpu.memref_squeeze %dma_wait3A_27 : memref<1x80x128xi32, #tpu.memory_space<hbm>> -> memref<80x128xi32, #tpu.memory_space<hbm>>
      %dma_wait3A_29 = arith.constant 0 : i32
      %dma_wait3A_30 = arith.constant 0 : i32
      %dma_wait3A_31 = tpu.memref_slice %arg2[%add3A, %dma_wait3A_29, %dma_wait3A_30] : memref<32x80x128xi32, #tpu.memory_space<hbm>> -> memref<1x80x128xi32, #tpu.memory_space<hbm>>
      %dma_wait3A_32 = tpu.memref_squeeze %dma_wait3A_31 : memref<1x80x128xi32, #tpu.memory_space<hbm>> -> memref<80x128xi32, #tpu.memory_space<hbm>>
      tpu.wait_dma2 semaphore(%run_scoped3A : memref<!tpu.dma_semaphore, #tpu.memory_space<semaphore_mem>>) src(%dma_wait3A_32 : memref<80x128xi32, #tpu.memory_space<hbm>>) dst(%arg6 : memref<80x128xi32, #tpu.memory_space<vmem>>)
      tpu.yield
    }) : () -> ()
    "tpu.region"() ({
      %run_scoped3A = tpu.sem_alloc : memref<!tpu.dma_semaphore, #tpu.memory_space<semaphore_mem>>
      tpu.enqueue_dma source(%arg4 : memref<128x128xf32, #tpu.memory_space<hbm>>) target(%arg7 : memref<128x128xf32, #tpu.memory_space<vmem>>) target_semaphore(%run_scoped3A : memref<!tpu.dma_semaphore, #tpu.memory_space<semaphore_mem>>)
      tpu.wait_dma2 semaphore(%run_scoped3A : memref<!tpu.dma_semaphore, #tpu.memory_space<semaphore_mem>>) src(%arg4 : memref<128x128xf32, #tpu.memory_space<hbm>>) dst(%arg7 : memref<128x128xf32, #tpu.memory_space<vmem>>)
      tpu.yield
    }) : () -> ()
    %barrier3A = arith.constant 0 : index
    tpu.barrier barrier_id(%barrier3A)
    %scan3A = arith.constant 0 : i32
    %scan3A_3 = arith.constant 0 : i32
    %scan3A_4 = arith.constant 80 : i32
    %scan3A_5 = arith.addi %scan3A_3, %scan3A_4 : i32
    %scan3A_6 = arith.constant 1 : i32
    scf.for %scan3A_19 = %scan3A_3 to %scan3A_5 step %scan3A_6  : i32 {
      %dma_start3A = arith.constant 0 : i32
      %dma_start3A_20 = tpu.memref_slice %arg6[%scan3A_19, %dma_start3A] : memref<80x128xi32, #tpu.memory_space<vmem>> -> memref<1x128xi32, #tpu.memory_space<vmem>>
      %dma_start3A_21 = tpu.memref_squeeze %dma_start3A_20 : memref<1x128xi32, #tpu.memory_space<vmem>> -> memref<128xi32, #tpu.memory_space<vmem>>
      %dma_start3A_22 = arith.constant 0 : i32
      %dma_start3A_23 = arith.constant 0 : i32
      %dma_start3A_24 = tpu.memref_slice %arg8[%dma_start3A_22, %dma_start3A_23] : memref<10112x128xf32, #tpu.memory_space<vmem_shared>> -> memref<10112x128xf32, #tpu.memory_space<vmem_shared>>
      tpu.enqueue_indirect_dma source(%arg7 : memref<128x128xf32, #tpu.memory_space<vmem>>) target(%dma_start3A_24 : memref<10112x128xf32, #tpu.memory_space<vmem_shared>>) offsets(%dma_start3A_21 : memref<128xi32, #tpu.memory_space<vmem>>) semaphore(%arg9 : memref<!tpu.dma_semaphore, #tpu.memory_space<semaphore_mem>>) {add = true}
    }
    %scan3A_7 = arith.constant 80 : i32
    %scan3A_8 = arith.constant 0 : i32
    %scan3A_9 = arith.constant 0 : i32
    %scan3A_10 = arith.constant 80 : i32
    %scan3A_11 = arith.addi %scan3A_9, %scan3A_10 : i32
    %scan3A_12 = arith.constant 1 : i32
    scf.for %scan3A_19 = %scan3A_9 to %scan3A_11 step %scan3A_12  : i32 {
      %dma_wait3A = arith.constant 0 : i32
      %dma_wait3A_20 = tpu.memref_slice %arg6[%scan3A_19, %dma_wait3A] : memref<80x128xi32, #tpu.memory_space<vmem>> -> memref<1x128xi32, #tpu.memory_space<vmem>>
      %dma_wait3A_21 = tpu.memref_squeeze %dma_wait3A_20 : memref<1x128xi32, #tpu.memory_space<vmem>> -> memref<128xi32, #tpu.memory_space<vmem>>
      %dma_wait3A_22 = arith.constant 0 : i32
      %dma_wait3A_23 = arith.constant 0 : i32
      %dma_wait3A_24 = tpu.memref_slice %arg8[%dma_wait3A_22, %dma_wait3A_23] : memref<10112x128xf32, #tpu.memory_space<vmem_shared>> -> memref<10112x128xf32, #tpu.memory_space<vmem_shared>>
      tpu.wait_indirect_dma semaphore(%arg9 : memref<!tpu.dma_semaphore, #tpu.memory_space<semaphore_mem>>) src(%arg7 : memref<128x128xf32, #tpu.memory_space<vmem>>) dst(%dma_wait3A_24 : memref<10112x128xf32, #tpu.memory_space<vmem_shared>>)
    }
    %scan3A_13 = arith.constant 80 : i32
    %barrier3A_14 = arith.constant 0 : index
    tpu.barrier barrier_id(%barrier3A_14)
    %mul3A_15 = arith.constant 632 : i32
    %mul3A_16 = arith.muli %arg1, %mul3A_15 : i32
    %mul3A_17 = arith.constant 632 : i32
    %mul3A_18 = arith.muli %arg1, %mul3A_17 : i32
    "tpu.region"() ({
      %run_scoped3A = tpu.sem_alloc : memref<!tpu.dma_semaphore, #tpu.memory_space<semaphore_mem>>
      %dma_start3A = arith.constant 0 : i32
      %dma_start3A_19 = tpu.memref_slice %arg5[%arg0, %mul3A_18, %dma_start3A] : memref<2x10112x128xf32, #tpu.memory_space<hbm>> -> memref<1x632x128xf32, #tpu.memory_space<hbm>>
      %dma_start3A_20 = tpu.memref_squeeze %dma_start3A_19 : memref<1x632x128xf32, #tpu.memory_space<hbm>> -> memref<632x128xf32, #tpu.memory_space<hbm>>
      %dma_start3A_21 = arith.constant 0 : i32
      %dma_start3A_22 = tpu.memref_slice %arg8[%mul3A_16, %dma_start3A_21] : memref<10112x128xf32, #tpu.memory_space<vmem_shared>> -> memref<632x128xf32, #tpu.memory_space<vmem_shared>>
      tpu.enqueue_dma source(%dma_start3A_22 : memref<632x128xf32, #tpu.memory_space<vmem_shared>>) target(%dma_start3A_20 : memref<632x128xf32, #tpu.memory_space<hbm>>) target_semaphore(%run_scoped3A : memref<!tpu.dma_semaphore, #tpu.memory_space<semaphore_mem>>)
      %dma_wait3A = arith.constant 0 : i32
      %dma_wait3A_23 = tpu.memref_slice %arg5[%arg0, %mul3A_18, %dma_wait3A] : memref<2x10112x128xf32, #tpu.memory_space<hbm>> -> memref<1x632x128xf32, #tpu.memory_space<hbm>>
      %dma_wait3A_24 = tpu.memref_squeeze %dma_wait3A_23 : memref<1x632x128xf32, #tpu.memory_space<hbm>> -> memref<632x128xf32, #tpu.memory_space<hbm>>
      %dma_wait3A_25 = arith.constant 0 : i32
      %dma_wait3A_26 = tpu.memref_slice %arg8[%mul3A_16, %dma_wait3A_25] : memref<10112x128xf32, #tpu.memory_space<vmem_shared>> -> memref<632x128xf32, #tpu.memory_space<vmem_shared>>
      tpu.wait_dma2 semaphore(%run_scoped3A : memref<!tpu.dma_semaphore, #tpu.memory_space<semaphore_mem>>) src(%dma_wait3A_26 : memref<632x128xf32, #tpu.memory_space<vmem_shared>>) dst(%dma_wait3A_24 : memref<632x128xf32, #tpu.memory_space<hbm>>)
      tpu.yield
    }) : () -> ()
    return
  }
}

#map = affine_map<(d0, d1) -> (0, 0)>
#map1 = affine_map<(d0, d1) -> (0, 0, 0)>
module attributes {stable_mosaic.version = 14 : i64} {
  func.func @_segsum(%arg0: i32, %arg1: i32, %arg2: memref<10000x128xf32, #tpu.memory_space<hbm>>, %arg3: memref<32x80x128xi32, #tpu.memory_space<hbm>>, %arg4: memref<32x80x128xi32, #tpu.memory_space<hbm>>, %arg5: memref<632x128xf32, #tpu.memory_space<hbm>>, %arg6: memref<2x10112x128xf32, #tpu.memory_space<hbm>>, %arg7: memref<40x128xi32, #tpu.memory_space<vmem>>, %arg8: memref<40x128xi32, #tpu.memory_space<vmem>>, %arg9: memref<128x128xf32, #tpu.memory_space<vmem>>, %arg10: memref<128x128xf32, #tpu.memory_space<vmem>>, %arg11: memref<10112x128xf32, #tpu.memory_space<vmem_shared>>, %arg12: memref<!tpu.dma_semaphore, #tpu.memory_space<semaphore_mem>>, %arg13: memref<!tpu.dma_semaphore, #tpu.memory_space<semaphore_mem>>) attributes {dimension_semantics = [#tpu.dimension_semantics<core_parallel>, #tpu.dimension_semantics<subcore_parallel>], iteration_bounds = array<i64: 2, 16>, scalar_prefetch = 0 : i64, scratch_operands = 7 : i64, tpu.core_type = #tpu.core_type<sc_vector_subcore>, window_params = [{transform_indices = #map}, {transform_indices = #map1}, {transform_indices = #map1}, {transform_indices = #map}, {transform_indices = #map1}]} {
    %mul3A = arith.constant 16 : i32
    %mul3A_0 = arith.muli %arg0, %mul3A : i32
    %add3A = arith.addi %mul3A_0, %arg1 : i32
    %mul3A_1 = arith.constant 632 : i32
    %mul3A_2 = arith.muli %arg1, %mul3A_1 : i32
    "tpu.region"() ({
      %run_scoped3A = tpu.sem_alloc : memref<!tpu.dma_semaphore, #tpu.memory_space<semaphore_mem>>
      %dma_start3A_32 = arith.constant 0 : i32
      %dma_start3A_33 = tpu.memref_slice %arg11[%mul3A_2, %dma_start3A_32] : memref<10112x128xf32, #tpu.memory_space<vmem_shared>> -> memref<632x128xf32, #tpu.memory_space<vmem_shared>>
      tpu.enqueue_dma source(%arg5 : memref<632x128xf32, #tpu.memory_space<hbm>>) target(%dma_start3A_33 : memref<632x128xf32, #tpu.memory_space<vmem_shared>>) target_semaphore(%run_scoped3A : memref<!tpu.dma_semaphore, #tpu.memory_space<semaphore_mem>>)
      %dma_wait3A = arith.constant 0 : i32
      %dma_wait3A_34 = tpu.memref_slice %arg11[%mul3A_2, %dma_wait3A] : memref<10112x128xf32, #tpu.memory_space<vmem_shared>> -> memref<632x128xf32, #tpu.memory_space<vmem_shared>>
      tpu.wait_dma2 semaphore(%run_scoped3A : memref<!tpu.dma_semaphore, #tpu.memory_space<semaphore_mem>>) src(%arg5 : memref<632x128xf32, #tpu.memory_space<hbm>>) dst(%dma_wait3A_34 : memref<632x128xf32, #tpu.memory_space<vmem_shared>>)
      tpu.yield
    }) : () -> ()
    %barrier3A = arith.constant 0 : index
    tpu.barrier barrier_id(%barrier3A)
    "tpu.region"() ({
      %run_scoped3A = tpu.sem_alloc : memref<!tpu.dma_semaphore, #tpu.memory_space<semaphore_mem>>
      %dma_start3A_32 = arith.constant 0 : i32
      %dma_start3A_33 = arith.constant 0 : i32
      %dma_start3A_34 = tpu.memref_slice %arg3[%add3A, %dma_start3A_32, %dma_start3A_33] : memref<32x80x128xi32, #tpu.memory_space<hbm>> -> memref<1x40x128xi32, #tpu.memory_space<hbm>>
      %dma_start3A_35 = tpu.memref_squeeze %dma_start3A_34 : memref<1x40x128xi32, #tpu.memory_space<hbm>> -> memref<40x128xi32, #tpu.memory_space<hbm>>
      %dma_start3A_36 = arith.constant 0 : i32
      %dma_start3A_37 = arith.constant 0 : i32
      %dma_start3A_38 = tpu.memref_slice %arg3[%add3A, %dma_start3A_36, %dma_start3A_37] : memref<32x80x128xi32, #tpu.memory_space<hbm>> -> memref<1x40x128xi32, #tpu.memory_space<hbm>>
      %dma_start3A_39 = tpu.memref_squeeze %dma_start3A_38 : memref<1x40x128xi32, #tpu.memory_space<hbm>> -> memref<40x128xi32, #tpu.memory_space<hbm>>
      tpu.enqueue_dma source(%dma_start3A_39 : memref<40x128xi32, #tpu.memory_space<hbm>>) target(%arg7 : memref<40x128xi32, #tpu.memory_space<vmem>>) target_semaphore(%run_scoped3A : memref<!tpu.dma_semaphore, #tpu.memory_space<semaphore_mem>>)
      %dma_wait3A = arith.constant 0 : i32
      %dma_wait3A_40 = arith.constant 0 : i32
      %dma_wait3A_41 = tpu.memref_slice %arg3[%add3A, %dma_wait3A, %dma_wait3A_40] : memref<32x80x128xi32, #tpu.memory_space<hbm>> -> memref<1x40x128xi32, #tpu.memory_space<hbm>>
      %dma_wait3A_42 = tpu.memref_squeeze %dma_wait3A_41 : memref<1x40x128xi32, #tpu.memory_space<hbm>> -> memref<40x128xi32, #tpu.memory_space<hbm>>
      %dma_wait3A_43 = arith.constant 0 : i32
      %dma_wait3A_44 = arith.constant 0 : i32
      %dma_wait3A_45 = tpu.memref_slice %arg3[%add3A, %dma_wait3A_43, %dma_wait3A_44] : memref<32x80x128xi32, #tpu.memory_space<hbm>> -> memref<1x40x128xi32, #tpu.memory_space<hbm>>
      %dma_wait3A_46 = tpu.memref_squeeze %dma_wait3A_45 : memref<1x40x128xi32, #tpu.memory_space<hbm>> -> memref<40x128xi32, #tpu.memory_space<hbm>>
      tpu.wait_dma2 semaphore(%run_scoped3A : memref<!tpu.dma_semaphore, #tpu.memory_space<semaphore_mem>>) src(%dma_wait3A_46 : memref<40x128xi32, #tpu.memory_space<hbm>>) dst(%arg7 : memref<40x128xi32, #tpu.memory_space<vmem>>)
      tpu.yield
    }) : () -> ()
    "tpu.region"() ({
      %run_scoped3A = tpu.sem_alloc : memref<!tpu.dma_semaphore, #tpu.memory_space<semaphore_mem>>
      %dma_start3A_32 = arith.constant 0 : i32
      %dma_start3A_33 = arith.constant 0 : i32
      %dma_start3A_34 = tpu.memref_slice %arg4[%add3A, %dma_start3A_32, %dma_start3A_33] : memref<32x80x128xi32, #tpu.memory_space<hbm>> -> memref<1x40x128xi32, #tpu.memory_space<hbm>>
      %dma_start3A_35 = tpu.memref_squeeze %dma_start3A_34 : memref<1x40x128xi32, #tpu.memory_space<hbm>> -> memref<40x128xi32, #tpu.memory_space<hbm>>
      %dma_start3A_36 = arith.constant 0 : i32
      %dma_start3A_37 = arith.constant 0 : i32
      %dma_start3A_38 = tpu.memref_slice %arg4[%add3A, %dma_start3A_36, %dma_start3A_37] : memref<32x80x128xi32, #tpu.memory_space<hbm>> -> memref<1x40x128xi32, #tpu.memory_space<hbm>>
      %dma_start3A_39 = tpu.memref_squeeze %dma_start3A_38 : memref<1x40x128xi32, #tpu.memory_space<hbm>> -> memref<40x128xi32, #tpu.memory_space<hbm>>
      tpu.enqueue_dma source(%dma_start3A_39 : memref<40x128xi32, #tpu.memory_space<hbm>>) target(%arg8 : memref<40x128xi32, #tpu.memory_space<vmem>>) target_semaphore(%run_scoped3A : memref<!tpu.dma_semaphore, #tpu.memory_space<semaphore_mem>>)
      %dma_wait3A = arith.constant 0 : i32
      %dma_wait3A_40 = arith.constant 0 : i32
      %dma_wait3A_41 = tpu.memref_slice %arg4[%add3A, %dma_wait3A, %dma_wait3A_40] : memref<32x80x128xi32, #tpu.memory_space<hbm>> -> memref<1x40x128xi32, #tpu.memory_space<hbm>>
      %dma_wait3A_42 = tpu.memref_squeeze %dma_wait3A_41 : memref<1x40x128xi32, #tpu.memory_space<hbm>> -> memref<40x128xi32, #tpu.memory_space<hbm>>
      %dma_wait3A_43 = arith.constant 0 : i32
      %dma_wait3A_44 = arith.constant 0 : i32
      %dma_wait3A_45 = tpu.memref_slice %arg4[%add3A, %dma_wait3A_43, %dma_wait3A_44] : memref<32x80x128xi32, #tpu.memory_space<hbm>> -> memref<1x40x128xi32, #tpu.memory_space<hbm>>
      %dma_wait3A_46 = tpu.memref_squeeze %dma_wait3A_45 : memref<1x40x128xi32, #tpu.memory_space<hbm>> -> memref<40x128xi32, #tpu.memory_space<hbm>>
      tpu.wait_dma2 semaphore(%run_scoped3A : memref<!tpu.dma_semaphore, #tpu.memory_space<semaphore_mem>>) src(%dma_wait3A_46 : memref<40x128xi32, #tpu.memory_space<hbm>>) dst(%arg8 : memref<40x128xi32, #tpu.memory_space<vmem>>)
      tpu.yield
    }) : () -> ()
    %dma_start3A = arith.constant 0 : i32
    %dma_start3A_3 = arith.constant 0 : i32
    %dma_start3A_4 = tpu.memref_slice %arg7[%dma_start3A, %dma_start3A_3] : memref<40x128xi32, #tpu.memory_space<vmem>> -> memref<1x128xi32, #tpu.memory_space<vmem>>
    %dma_start3A_5 = tpu.memref_squeeze %dma_start3A_4 : memref<1x128xi32, #tpu.memory_space<vmem>> -> memref<128xi32, #tpu.memory_space<vmem>>
    %dma_start3A_6 = arith.constant 0 : i32
    %dma_start3A_7 = arith.constant 0 : i32
    %dma_start3A_8 = tpu.memref_slice %arg2[%dma_start3A_6, %dma_start3A_7] : memref<10000x128xf32, #tpu.memory_space<hbm>> -> memref<10000x128xf32, #tpu.memory_space<hbm>>
    tpu.enqueue_indirect_dma source(%dma_start3A_8 : memref<10000x128xf32, #tpu.memory_space<hbm>>) target(%arg9 : memref<128x128xf32, #tpu.memory_space<vmem>>) offsets(%dma_start3A_5 : memref<128xi32, #tpu.memory_space<vmem>>) semaphore(%arg12 : memref<!tpu.dma_semaphore, #tpu.memory_space<semaphore_mem>>)
    %scan3A = arith.constant 0 : i32
    %scan3A_9 = arith.constant 0 : i32
    %scan3A_10 = arith.constant 20 : i32
    %scan3A_11 = arith.addi %scan3A_9, %scan3A_10 : i32
    %scan3A_12 = arith.constant 1 : i32
    scf.for %scan3A_32 = %scan3A_9 to %scan3A_11 step %scan3A_12  : i32 {
      %mul3A_33 = arith.constant 2 : i32
      %mul3A_34 = arith.muli %mul3A_33, %scan3A_32 : i32
      %add3A_35 = arith.constant 1 : i32
      %add3A_36 = arith.addi %mul3A_34, %add3A_35 : i32
      %dma_start3A_37 = arith.constant 0 : i32
      %dma_start3A_38 = tpu.memref_slice %arg7[%add3A_36, %dma_start3A_37] : memref<40x128xi32, #tpu.memory_space<vmem>> -> memref<1x128xi32, #tpu.memory_space<vmem>>
      %dma_start3A_39 = tpu.memref_squeeze %dma_start3A_38 : memref<1x128xi32, #tpu.memory_space<vmem>> -> memref<128xi32, #tpu.memory_space<vmem>>
      %dma_start3A_40 = arith.constant 0 : i32
      %dma_start3A_41 = arith.constant 0 : i32
      %dma_start3A_42 = tpu.memref_slice %arg2[%dma_start3A_40, %dma_start3A_41] : memref<10000x128xf32, #tpu.memory_space<hbm>> -> memref<10000x128xf32, #tpu.memory_space<hbm>>
      tpu.enqueue_indirect_dma source(%dma_start3A_42 : memref<10000x128xf32, #tpu.memory_space<hbm>>) target(%arg10 : memref<128x128xf32, #tpu.memory_space<vmem>>) offsets(%dma_start3A_39 : memref<128xi32, #tpu.memory_space<vmem>>) semaphore(%arg13 : memref<!tpu.dma_semaphore, #tpu.memory_space<semaphore_mem>>)
      %dma_wait3A = arith.constant 0 : i32
      %dma_wait3A_43 = tpu.memref_slice %arg7[%mul3A_34, %dma_wait3A] : memref<40x128xi32, #tpu.memory_space<vmem>> -> memref<1x128xi32, #tpu.memory_space<vmem>>
      %dma_wait3A_44 = tpu.memref_squeeze %dma_wait3A_43 : memref<1x128xi32, #tpu.memory_space<vmem>> -> memref<128xi32, #tpu.memory_space<vmem>>
      %dma_wait3A_45 = arith.constant 0 : i32
      %dma_wait3A_46 = arith.constant 0 : i32
      %dma_wait3A_47 = tpu.memref_slice %arg2[%dma_wait3A_45, %dma_wait3A_46] : memref<10000x128xf32, #tpu.memory_space<hbm>> -> memref<10000x128xf32, #tpu.memory_space<hbm>>
      tpu.wait_indirect_dma semaphore(%arg12 : memref<!tpu.dma_semaphore, #tpu.memory_space<semaphore_mem>>) src(%dma_wait3A_47 : memref<10000x128xf32, #tpu.memory_space<hbm>>) dst(%arg9 : memref<128x128xf32, #tpu.memory_space<vmem>>)
      "tpu.region"() ({
        %run_scoped3A = tpu.sem_alloc : memref<!tpu.dma_semaphore, #tpu.memory_space<semaphore_mem>>
        %dma_start3A_56 = arith.constant 0 : i32
        %dma_start3A_57 = tpu.memref_slice %arg8[%mul3A_34, %dma_start3A_56] : memref<40x128xi32, #tpu.memory_space<vmem>> -> memref<1x128xi32, #tpu.memory_space<vmem>>
        %dma_start3A_58 = tpu.memref_squeeze %dma_start3A_57 : memref<1x128xi32, #tpu.memory_space<vmem>> -> memref<128xi32, #tpu.memory_space<vmem>>
        %dma_start3A_59 = arith.constant 0 : i32
        %dma_start3A_60 = arith.constant 0 : i32
        %dma_start3A_61 = tpu.memref_slice %arg11[%dma_start3A_59, %dma_start3A_60] : memref<10112x128xf32, #tpu.memory_space<vmem_shared>> -> memref<10112x128xf32, #tpu.memory_space<vmem_shared>>
        tpu.enqueue_indirect_dma source(%arg9 : memref<128x128xf32, #tpu.memory_space<vmem>>) target(%dma_start3A_61 : memref<10112x128xf32, #tpu.memory_space<vmem_shared>>) offsets(%dma_start3A_58 : memref<128xi32, #tpu.memory_space<vmem>>) semaphore(%run_scoped3A : memref<!tpu.dma_semaphore, #tpu.memory_space<semaphore_mem>>) {add = true}
        %dma_wait3A_62 = arith.constant 0 : i32
        %dma_wait3A_63 = tpu.memref_slice %arg8[%mul3A_34, %dma_wait3A_62] : memref<40x128xi32, #tpu.memory_space<vmem>> -> memref<1x128xi32, #tpu.memory_space<vmem>>
        %dma_wait3A_64 = tpu.memref_squeeze %dma_wait3A_63 : memref<1x128xi32, #tpu.memory_space<vmem>> -> memref<128xi32, #tpu.memory_space<vmem>>
        %dma_wait3A_65 = arith.constant 0 : i32
        %dma_wait3A_66 = arith.constant 0 : i32
        %dma_wait3A_67 = tpu.memref_slice %arg11[%dma_wait3A_65, %dma_wait3A_66] : memref<10112x128xf32, #tpu.memory_space<vmem_shared>> -> memref<10112x128xf32, #tpu.memory_space<vmem_shared>>
        tpu.wait_indirect_dma semaphore(%run_scoped3A : memref<!tpu.dma_semaphore, #tpu.memory_space<semaphore_mem>>) src(%arg9 : memref<128x128xf32, #tpu.memory_space<vmem>>) dst(%dma_wait3A_67 : memref<10112x128xf32, #tpu.memory_space<vmem_shared>>)
        tpu.yield
      }) : () -> ()
      %lt3A = arith.constant 19 : i32
      %lt3A_48 = arith.cmpi slt, %scan3A_32, %lt3A : i32
      %convert_element_type3A = arith.extui %lt3A_48 : i1 to i32
      %cond3A = arith.constant 0 : i32
      %cond3A_49 = arith.cmpi ne, %convert_element_type3A, %cond3A : i32
      scf.if %cond3A_49 {
        %add3A_56 = arith.constant 2 : i32
        %add3A_57 = arith.addi %mul3A_34, %add3A_56 : i32
        %dma_start3A_58 = arith.constant 0 : i32
        %dma_start3A_59 = tpu.memref_slice %arg7[%add3A_57, %dma_start3A_58] : memref<40x128xi32, #tpu.memory_space<vmem>> -> memref<1x128xi32, #tpu.memory_space<vmem>>
        %dma_start3A_60 = tpu.memref_squeeze %dma_start3A_59 : memref<1x128xi32, #tpu.memory_space<vmem>> -> memref<128xi32, #tpu.memory_space<vmem>>
        %dma_start3A_61 = arith.constant 0 : i32
        %dma_start3A_62 = arith.constant 0 : i32
        %dma_start3A_63 = tpu.memref_slice %arg2[%dma_start3A_61, %dma_start3A_62] : memref<10000x128xf32, #tpu.memory_space<hbm>> -> memref<10000x128xf32, #tpu.memory_space<hbm>>
        tpu.enqueue_indirect_dma source(%dma_start3A_63 : memref<10000x128xf32, #tpu.memory_space<hbm>>) target(%arg9 : memref<128x128xf32, #tpu.memory_space<vmem>>) offsets(%dma_start3A_60 : memref<128xi32, #tpu.memory_space<vmem>>) semaphore(%arg12 : memref<!tpu.dma_semaphore, #tpu.memory_space<semaphore_mem>>)
      } else {
      }
      %dma_wait3A_50 = arith.constant 0 : i32
      %dma_wait3A_51 = tpu.memref_slice %arg7[%add3A_36, %dma_wait3A_50] : memref<40x128xi32, #tpu.memory_space<vmem>> -> memref<1x128xi32, #tpu.memory_space<vmem>>
      %dma_wait3A_52 = tpu.memref_squeeze %dma_wait3A_51 : memref<1x128xi32, #tpu.memory_space<vmem>> -> memref<128xi32, #tpu.memory_space<vmem>>
      %dma_wait3A_53 = arith.constant 0 : i32
      %dma_wait3A_54 = arith.constant 0 : i32
      %dma_wait3A_55 = tpu.memref_slice %arg2[%dma_wait3A_53, %dma_wait3A_54] : memref<10000x128xf32, #tpu.memory_space<hbm>> -> memref<10000x128xf32, #tpu.memory_space<hbm>>
      tpu.wait_indirect_dma semaphore(%arg13 : memref<!tpu.dma_semaphore, #tpu.memory_space<semaphore_mem>>) src(%dma_wait3A_55 : memref<10000x128xf32, #tpu.memory_space<hbm>>) dst(%arg10 : memref<128x128xf32, #tpu.memory_space<vmem>>)
      "tpu.region"() ({
        %run_scoped3A = tpu.sem_alloc : memref<!tpu.dma_semaphore, #tpu.memory_space<semaphore_mem>>
        %dma_start3A_56 = arith.constant 0 : i32
        %dma_start3A_57 = tpu.memref_slice %arg8[%add3A_36, %dma_start3A_56] : memref<40x128xi32, #tpu.memory_space<vmem>> -> memref<1x128xi32, #tpu.memory_space<vmem>>
        %dma_start3A_58 = tpu.memref_squeeze %dma_start3A_57 : memref<1x128xi32, #tpu.memory_space<vmem>> -> memref<128xi32, #tpu.memory_space<vmem>>
        %dma_start3A_59 = arith.constant 0 : i32
        %dma_start3A_60 = arith.constant 0 : i32
        %dma_start3A_61 = tpu.memref_slice %arg11[%dma_start3A_59, %dma_start3A_60] : memref<10112x128xf32, #tpu.memory_space<vmem_shared>> -> memref<10112x128xf32, #tpu.memory_space<vmem_shared>>
        tpu.enqueue_indirect_dma source(%arg10 : memref<128x128xf32, #tpu.memory_space<vmem>>) target(%dma_start3A_61 : memref<10112x128xf32, #tpu.memory_space<vmem_shared>>) offsets(%dma_start3A_58 : memref<128xi32, #tpu.memory_space<vmem>>) semaphore(%run_scoped3A : memref<!tpu.dma_semaphore, #tpu.memory_space<semaphore_mem>>) {add = true}
        %dma_wait3A_62 = arith.constant 0 : i32
        %dma_wait3A_63 = tpu.memref_slice %arg8[%add3A_36, %dma_wait3A_62] : memref<40x128xi32, #tpu.memory_space<vmem>> -> memref<1x128xi32, #tpu.memory_space<vmem>>
        %dma_wait3A_64 = tpu.memref_squeeze %dma_wait3A_63 : memref<1x128xi32, #tpu.memory_space<vmem>> -> memref<128xi32, #tpu.memory_space<vmem>>
        %dma_wait3A_65 = arith.constant 0 : i32
        %dma_wait3A_66 = arith.constant 0 : i32
        %dma_wait3A_67 = tpu.memref_slice %arg11[%dma_wait3A_65, %dma_wait3A_66] : memref<10112x128xf32, #tpu.memory_space<vmem_shared>> -> memref<10112x128xf32, #tpu.memory_space<vmem_shared>>
        tpu.wait_indirect_dma semaphore(%run_scoped3A : memref<!tpu.dma_semaphore, #tpu.memory_space<semaphore_mem>>) src(%arg10 : memref<128x128xf32, #tpu.memory_space<vmem>>) dst(%dma_wait3A_67 : memref<10112x128xf32, #tpu.memory_space<vmem_shared>>)
        tpu.yield
      }) : () -> ()
    }
    %scan3A_13 = arith.constant 20 : i32
    "tpu.region"() ({
      %run_scoped3A = tpu.sem_alloc : memref<!tpu.dma_semaphore, #tpu.memory_space<semaphore_mem>>
      %dma_start3A_32 = arith.constant 40 : i32
      %dma_start3A_33 = arith.constant 0 : i32
      %dma_start3A_34 = tpu.memref_slice %arg3[%add3A, %dma_start3A_32, %dma_start3A_33] : memref<32x80x128xi32, #tpu.memory_space<hbm>> -> memref<1x40x128xi32, #tpu.memory_space<hbm>>
      %dma_start3A_35 = tpu.memref_squeeze %dma_start3A_34 : memref<1x40x128xi32, #tpu.memory_space<hbm>> -> memref<40x128xi32, #tpu.memory_space<hbm>>
      %dma_start3A_36 = arith.constant 40 : i32
      %dma_start3A_37 = arith.constant 0 : i32
      %dma_start3A_38 = tpu.memref_slice %arg3[%add3A, %dma_start3A_36, %dma_start3A_37] : memref<32x80x128xi32, #tpu.memory_space<hbm>> -> memref<1x40x128xi32, #tpu.memory_space<hbm>>
      %dma_start3A_39 = tpu.memref_squeeze %dma_start3A_38 : memref<1x40x128xi32, #tpu.memory_space<hbm>> -> memref<40x128xi32, #tpu.memory_space<hbm>>
      tpu.enqueue_dma source(%dma_start3A_39 : memref<40x128xi32, #tpu.memory_space<hbm>>) target(%arg7 : memref<40x128xi32, #tpu.memory_space<vmem>>) target_semaphore(%run_scoped3A : memref<!tpu.dma_semaphore, #tpu.memory_space<semaphore_mem>>)
      %dma_wait3A = arith.constant 40 : i32
      %dma_wait3A_40 = arith.constant 0 : i32
      %dma_wait3A_41 = tpu.memref_slice %arg3[%add3A, %dma_wait3A, %dma_wait3A_40] : memref<32x80x128xi32, #tpu.memory_space<hbm>> -> memref<1x40x128xi32, #tpu.memory_space<hbm>>
      %dma_wait3A_42 = tpu.memref_squeeze %dma_wait3A_41 : memref<1x40x128xi32, #tpu.memory_space<hbm>> -> memref<40x128xi32, #tpu.memory_space<hbm>>
      %dma_wait3A_43 = arith.constant 40 : i32
      %dma_wait3A_44 = arith.constant 0 : i32
      %dma_wait3A_45 = tpu.memref_slice %arg3[%add3A, %dma_wait3A_43, %dma_wait3A_44] : memref<32x80x128xi32, #tpu.memory_space<hbm>> -> memref<1x40x128xi32, #tpu.memory_space<hbm>>
      %dma_wait3A_46 = tpu.memref_squeeze %dma_wait3A_45 : memref<1x40x128xi32, #tpu.memory_space<hbm>> -> memref<40x128xi32, #tpu.memory_space<hbm>>
      tpu.wait_dma2 semaphore(%run_scoped3A : memref<!tpu.dma_semaphore, #tpu.memory_space<semaphore_mem>>) src(%dma_wait3A_46 : memref<40x128xi32, #tpu.memory_space<hbm>>) dst(%arg7 : memref<40x128xi32, #tpu.memory_space<vmem>>)
      tpu.yield
    }) : () -> ()
    "tpu.region"() ({
      %run_scoped3A = tpu.sem_alloc : memref<!tpu.dma_semaphore, #tpu.memory_space<semaphore_mem>>
      %dma_start3A_32 = arith.constant 40 : i32
      %dma_start3A_33 = arith.constant 0 : i32
      %dma_start3A_34 = tpu.memref_slice %arg4[%add3A, %dma_start3A_32, %dma_start3A_33] : memref<32x80x128xi32, #tpu.memory_space<hbm>> -> memref<1x40x128xi32, #tpu.memory_space<hbm>>
      %dma_start3A_35 = tpu.memref_squeeze %dma_start3A_34 : memref<1x40x128xi32, #tpu.memory_space<hbm>> -> memref<40x128xi32, #tpu.memory_space<hbm>>
      %dma_start3A_36 = arith.constant 40 : i32
      %dma_start3A_37 = arith.constant 0 : i32
      %dma_start3A_38 = tpu.memref_slice %arg4[%add3A, %dma_start3A_36, %dma_start3A_37] : memref<32x80x128xi32, #tpu.memory_space<hbm>> -> memref<1x40x128xi32, #tpu.memory_space<hbm>>
      %dma_start3A_39 = tpu.memref_squeeze %dma_start3A_38 : memref<1x40x128xi32, #tpu.memory_space<hbm>> -> memref<40x128xi32, #tpu.memory_space<hbm>>
      tpu.enqueue_dma source(%dma_start3A_39 : memref<40x128xi32, #tpu.memory_space<hbm>>) target(%arg8 : memref<40x128xi32, #tpu.memory_space<vmem>>) target_semaphore(%run_scoped3A : memref<!tpu.dma_semaphore, #tpu.memory_space<semaphore_mem>>)
      %dma_wait3A = arith.constant 40 : i32
      %dma_wait3A_40 = arith.constant 0 : i32
      %dma_wait3A_41 = tpu.memref_slice %arg4[%add3A, %dma_wait3A, %dma_wait3A_40] : memref<32x80x128xi32, #tpu.memory_space<hbm>> -> memref<1x40x128xi32, #tpu.memory_space<hbm>>
      %dma_wait3A_42 = tpu.memref_squeeze %dma_wait3A_41 : memref<1x40x128xi32, #tpu.memory_space<hbm>> -> memref<40x128xi32, #tpu.memory_space<hbm>>
      %dma_wait3A_43 = arith.constant 40 : i32
      %dma_wait3A_44 = arith.constant 0 : i32
      %dma_wait3A_45 = tpu.memref_slice %arg4[%add3A, %dma_wait3A_43, %dma_wait3A_44] : memref<32x80x128xi32, #tpu.memory_space<hbm>> -> memref<1x40x128xi32, #tpu.memory_space<hbm>>
      %dma_wait3A_46 = tpu.memref_squeeze %dma_wait3A_45 : memref<1x40x128xi32, #tpu.memory_space<hbm>> -> memref<40x128xi32, #tpu.memory_space<hbm>>
      tpu.wait_dma2 semaphore(%run_scoped3A : memref<!tpu.dma_semaphore, #tpu.memory_space<semaphore_mem>>) src(%dma_wait3A_46 : memref<40x128xi32, #tpu.memory_space<hbm>>) dst(%arg8 : memref<40x128xi32, #tpu.memory_space<vmem>>)
      tpu.yield
    }) : () -> ()
    %dma_start3A_14 = arith.constant 0 : i32
    %dma_start3A_15 = arith.constant 0 : i32
    %dma_start3A_16 = tpu.memref_slice %arg7[%dma_start3A_14, %dma_start3A_15] : memref<40x128xi32, #tpu.memory_space<vmem>> -> memref<1x128xi32, #tpu.memory_space<vmem>>
    %dma_start3A_17 = tpu.memref_squeeze %dma_start3A_16 : memref<1x128xi32, #tpu.memory_space<vmem>> -> memref<128xi32, #tpu.memory_space<vmem>>
    %dma_start3A_18 = arith.constant 0 : i32
    %dma_start3A_19 = arith.constant 0 : i32
    %dma_start3A_20 = tpu.memref_slice %arg2[%dma_start3A_18, %dma_start3A_19] : memref<10000x128xf32, #tpu.memory_space<hbm>> -> memref<10000x128xf32, #tpu.memory_space<hbm>>
    tpu.enqueue_indirect_dma source(%dma_start3A_20 : memref<10000x128xf32, #tpu.memory_space<hbm>>) target(%arg9 : memref<128x128xf32, #tpu.memory_space<vmem>>) offsets(%dma_start3A_17 : memref<128xi32, #tpu.memory_space<vmem>>) semaphore(%arg12 : memref<!tpu.dma_semaphore, #tpu.memory_space<semaphore_mem>>)
    %scan3A_21 = arith.constant 0 : i32
    %scan3A_22 = arith.constant 0 : i32
    %scan3A_23 = arith.constant 20 : i32
    %scan3A_24 = arith.addi %scan3A_22, %scan3A_23 : i32
    %scan3A_25 = arith.constant 1 : i32
    scf.for %scan3A_32 = %scan3A_22 to %scan3A_24 step %scan3A_25  : i32 {
      %mul3A_33 = arith.constant 2 : i32
      %mul3A_34 = arith.muli %mul3A_33, %scan3A_32 : i32
      %add3A_35 = arith.constant 1 : i32
      %add3A_36 = arith.addi %mul3A_34, %add3A_35 : i32
      %dma_start3A_37 = arith.constant 0 : i32
      %dma_start3A_38 = tpu.memref_slice %arg7[%add3A_36, %dma_start3A_37] : memref<40x128xi32, #tpu.memory_space<vmem>> -> memref<1x128xi32, #tpu.memory_space<vmem>>
      %dma_start3A_39 = tpu.memref_squeeze %dma_start3A_38 : memref<1x128xi32, #tpu.memory_space<vmem>> -> memref<128xi32, #tpu.memory_space<vmem>>
      %dma_start3A_40 = arith.constant 0 : i32
      %dma_start3A_41 = arith.constant 0 : i32
      %dma_start3A_42 = tpu.memref_slice %arg2[%dma_start3A_40, %dma_start3A_41] : memref<10000x128xf32, #tpu.memory_space<hbm>> -> memref<10000x128xf32, #tpu.memory_space<hbm>>
      tpu.enqueue_indirect_dma source(%dma_start3A_42 : memref<10000x128xf32, #tpu.memory_space<hbm>>) target(%arg10 : memref<128x128xf32, #tpu.memory_space<vmem>>) offsets(%dma_start3A_39 : memref<128xi32, #tpu.memory_space<vmem>>) semaphore(%arg13 : memref<!tpu.dma_semaphore, #tpu.memory_space<semaphore_mem>>)
      %dma_wait3A = arith.constant 0 : i32
      %dma_wait3A_43 = tpu.memref_slice %arg7[%mul3A_34, %dma_wait3A] : memref<40x128xi32, #tpu.memory_space<vmem>> -> memref<1x128xi32, #tpu.memory_space<vmem>>
      %dma_wait3A_44 = tpu.memref_squeeze %dma_wait3A_43 : memref<1x128xi32, #tpu.memory_space<vmem>> -> memref<128xi32, #tpu.memory_space<vmem>>
      %dma_wait3A_45 = arith.constant 0 : i32
      %dma_wait3A_46 = arith.constant 0 : i32
      %dma_wait3A_47 = tpu.memref_slice %arg2[%dma_wait3A_45, %dma_wait3A_46] : memref<10000x128xf32, #tpu.memory_space<hbm>> -> memref<10000x128xf32, #tpu.memory_space<hbm>>
      tpu.wait_indirect_dma semaphore(%arg12 : memref<!tpu.dma_semaphore, #tpu.memory_space<semaphore_mem>>) src(%dma_wait3A_47 : memref<10000x128xf32, #tpu.memory_space<hbm>>) dst(%arg9 : memref<128x128xf32, #tpu.memory_space<vmem>>)
      "tpu.region"() ({
        %run_scoped3A = tpu.sem_alloc : memref<!tpu.dma_semaphore, #tpu.memory_space<semaphore_mem>>
        %dma_start3A_56 = arith.constant 0 : i32
        %dma_start3A_57 = tpu.memref_slice %arg8[%mul3A_34, %dma_start3A_56] : memref<40x128xi32, #tpu.memory_space<vmem>> -> memref<1x128xi32, #tpu.memory_space<vmem>>
        %dma_start3A_58 = tpu.memref_squeeze %dma_start3A_57 : memref<1x128xi32, #tpu.memory_space<vmem>> -> memref<128xi32, #tpu.memory_space<vmem>>
        %dma_start3A_59 = arith.constant 0 : i32
        %dma_start3A_60 = arith.constant 0 : i32
        %dma_start3A_61 = tpu.memref_slice %arg11[%dma_start3A_59, %dma_start3A_60] : memref<10112x128xf32, #tpu.memory_space<vmem_shared>> -> memref<10112x128xf32, #tpu.memory_space<vmem_shared>>
        tpu.enqueue_indirect_dma source(%arg9 : memref<128x128xf32, #tpu.memory_space<vmem>>) target(%dma_start3A_61 : memref<10112x128xf32, #tpu.memory_space<vmem_shared>>) offsets(%dma_start3A_58 : memref<128xi32, #tpu.memory_space<vmem>>) semaphore(%run_scoped3A : memref<!tpu.dma_semaphore, #tpu.memory_space<semaphore_mem>>) {add = true}
        %dma_wait3A_62 = arith.constant 0 : i32
        %dma_wait3A_63 = tpu.memref_slice %arg8[%mul3A_34, %dma_wait3A_62] : memref<40x128xi32, #tpu.memory_space<vmem>> -> memref<1x128xi32, #tpu.memory_space<vmem>>
        %dma_wait3A_64 = tpu.memref_squeeze %dma_wait3A_63 : memref<1x128xi32, #tpu.memory_space<vmem>> -> memref<128xi32, #tpu.memory_space<vmem>>
        %dma_wait3A_65 = arith.constant 0 : i32
        %dma_wait3A_66 = arith.constant 0 : i32
        %dma_wait3A_67 = tpu.memref_slice %arg11[%dma_wait3A_65, %dma_wait3A_66] : memref<10112x128xf32, #tpu.memory_space<vmem_shared>> -> memref<10112x128xf32, #tpu.memory_space<vmem_shared>>
        tpu.wait_indirect_dma semaphore(%run_scoped3A : memref<!tpu.dma_semaphore, #tpu.memory_space<semaphore_mem>>) src(%arg9 : memref<128x128xf32, #tpu.memory_space<vmem>>) dst(%dma_wait3A_67 : memref<10112x128xf32, #tpu.memory_space<vmem_shared>>)
        tpu.yield
      }) : () -> ()
      %lt3A = arith.constant 19 : i32
      %lt3A_48 = arith.cmpi slt, %scan3A_32, %lt3A : i32
      %convert_element_type3A = arith.extui %lt3A_48 : i1 to i32
      %cond3A = arith.constant 0 : i32
      %cond3A_49 = arith.cmpi ne, %convert_element_type3A, %cond3A : i32
      scf.if %cond3A_49 {
        %add3A_56 = arith.constant 2 : i32
        %add3A_57 = arith.addi %mul3A_34, %add3A_56 : i32
        %dma_start3A_58 = arith.constant 0 : i32
        %dma_start3A_59 = tpu.memref_slice %arg7[%add3A_57, %dma_start3A_58] : memref<40x128xi32, #tpu.memory_space<vmem>> -> memref<1x128xi32, #tpu.memory_space<vmem>>
        %dma_start3A_60 = tpu.memref_squeeze %dma_start3A_59 : memref<1x128xi32, #tpu.memory_space<vmem>> -> memref<128xi32, #tpu.memory_space<vmem>>
        %dma_start3A_61 = arith.constant 0 : i32
        %dma_start3A_62 = arith.constant 0 : i32
        %dma_start3A_63 = tpu.memref_slice %arg2[%dma_start3A_61, %dma_start3A_62] : memref<10000x128xf32, #tpu.memory_space<hbm>> -> memref<10000x128xf32, #tpu.memory_space<hbm>>
        tpu.enqueue_indirect_dma source(%dma_start3A_63 : memref<10000x128xf32, #tpu.memory_space<hbm>>) target(%arg9 : memref<128x128xf32, #tpu.memory_space<vmem>>) offsets(%dma_start3A_60 : memref<128xi32, #tpu.memory_space<vmem>>) semaphore(%arg12 : memref<!tpu.dma_semaphore, #tpu.memory_space<semaphore_mem>>)
      } else {
      }
      %dma_wait3A_50 = arith.constant 0 : i32
      %dma_wait3A_51 = tpu.memref_slice %arg7[%add3A_36, %dma_wait3A_50] : memref<40x128xi32, #tpu.memory_space<vmem>> -> memref<1x128xi32, #tpu.memory_space<vmem>>
      %dma_wait3A_52 = tpu.memref_squeeze %dma_wait3A_51 : memref<1x128xi32, #tpu.memory_space<vmem>> -> memref<128xi32, #tpu.memory_space<vmem>>
      %dma_wait3A_53 = arith.constant 0 : i32
      %dma_wait3A_54 = arith.constant 0 : i32
      %dma_wait3A_55 = tpu.memref_slice %arg2[%dma_wait3A_53, %dma_wait3A_54] : memref<10000x128xf32, #tpu.memory_space<hbm>> -> memref<10000x128xf32, #tpu.memory_space<hbm>>
      tpu.wait_indirect_dma semaphore(%arg13 : memref<!tpu.dma_semaphore, #tpu.memory_space<semaphore_mem>>) src(%dma_wait3A_55 : memref<10000x128xf32, #tpu.memory_space<hbm>>) dst(%arg10 : memref<128x128xf32, #tpu.memory_space<vmem>>)
      "tpu.region"() ({
        %run_scoped3A = tpu.sem_alloc : memref<!tpu.dma_semaphore, #tpu.memory_space<semaphore_mem>>
        %dma_start3A_56 = arith.constant 0 : i32
        %dma_start3A_57 = tpu.memref_slice %arg8[%add3A_36, %dma_start3A_56] : memref<40x128xi32, #tpu.memory_space<vmem>> -> memref<1x128xi32, #tpu.memory_space<vmem>>
        %dma_start3A_58 = tpu.memref_squeeze %dma_start3A_57 : memref<1x128xi32, #tpu.memory_space<vmem>> -> memref<128xi32, #tpu.memory_space<vmem>>
        %dma_start3A_59 = arith.constant 0 : i32
        %dma_start3A_60 = arith.constant 0 : i32
        %dma_start3A_61 = tpu.memref_slice %arg11[%dma_start3A_59, %dma_start3A_60] : memref<10112x128xf32, #tpu.memory_space<vmem_shared>> -> memref<10112x128xf32, #tpu.memory_space<vmem_shared>>
        tpu.enqueue_indirect_dma source(%arg10 : memref<128x128xf32, #tpu.memory_space<vmem>>) target(%dma_start3A_61 : memref<10112x128xf32, #tpu.memory_space<vmem_shared>>) offsets(%dma_start3A_58 : memref<128xi32, #tpu.memory_space<vmem>>) semaphore(%run_scoped3A : memref<!tpu.dma_semaphore, #tpu.memory_space<semaphore_mem>>) {add = true}
        %dma_wait3A_62 = arith.constant 0 : i32
        %dma_wait3A_63 = tpu.memref_slice %arg8[%add3A_36, %dma_wait3A_62] : memref<40x128xi32, #tpu.memory_space<vmem>> -> memref<1x128xi32, #tpu.memory_space<vmem>>
        %dma_wait3A_64 = tpu.memref_squeeze %dma_wait3A_63 : memref<1x128xi32, #tpu.memory_space<vmem>> -> memref<128xi32, #tpu.memory_space<vmem>>
        %dma_wait3A_65 = arith.constant 0 : i32
        %dma_wait3A_66 = arith.constant 0 : i32
        %dma_wait3A_67 = tpu.memref_slice %arg11[%dma_wait3A_65, %dma_wait3A_66] : memref<10112x128xf32, #tpu.memory_space<vmem_shared>> -> memref<10112x128xf32, #tpu.memory_space<vmem_shared>>
        tpu.wait_indirect_dma semaphore(%run_scoped3A : memref<!tpu.dma_semaphore, #tpu.memory_space<semaphore_mem>>) src(%arg10 : memref<128x128xf32, #tpu.memory_space<vmem>>) dst(%dma_wait3A_67 : memref<10112x128xf32, #tpu.memory_space<vmem_shared>>)
        tpu.yield
      }) : () -> ()
    }
    %scan3A_26 = arith.constant 20 : i32
    %barrier3A_27 = arith.constant 0 : index
    tpu.barrier barrier_id(%barrier3A_27)
    %mul3A_28 = arith.constant 632 : i32
    %mul3A_29 = arith.muli %arg1, %mul3A_28 : i32
    %mul3A_30 = arith.constant 632 : i32
    %mul3A_31 = arith.muli %arg1, %mul3A_30 : i32
    "tpu.region"() ({
      %run_scoped3A = tpu.sem_alloc : memref<!tpu.dma_semaphore, #tpu.memory_space<semaphore_mem>>
      %dma_start3A_32 = arith.constant 0 : i32
      %dma_start3A_33 = tpu.memref_slice %arg6[%arg0, %mul3A_31, %dma_start3A_32] : memref<2x10112x128xf32, #tpu.memory_space<hbm>> -> memref<1x632x128xf32, #tpu.memory_space<hbm>>
      %dma_start3A_34 = tpu.memref_squeeze %dma_start3A_33 : memref<1x632x128xf32, #tpu.memory_space<hbm>> -> memref<632x128xf32, #tpu.memory_space<hbm>>
      %dma_start3A_35 = arith.constant 0 : i32
      %dma_start3A_36 = tpu.memref_slice %arg11[%mul3A_29, %dma_start3A_35] : memref<10112x128xf32, #tpu.memory_space<vmem_shared>> -> memref<632x128xf32, #tpu.memory_space<vmem_shared>>
      tpu.enqueue_dma source(%dma_start3A_36 : memref<632x128xf32, #tpu.memory_space<vmem_shared>>) target(%dma_start3A_34 : memref<632x128xf32, #tpu.memory_space<hbm>>) target_semaphore(%run_scoped3A : memref<!tpu.dma_semaphore, #tpu.memory_space<semaphore_mem>>)
      %dma_wait3A = arith.constant 0 : i32
      %dma_wait3A_37 = tpu.memref_slice %arg6[%arg0, %mul3A_31, %dma_wait3A] : memref<2x10112x128xf32, #tpu.memory_space<hbm>> -> memref<1x632x128xf32, #tpu.memory_space<hbm>>
      %dma_wait3A_38 = tpu.memref_squeeze %dma_wait3A_37 : memref<1x632x128xf32, #tpu.memory_space<hbm>> -> memref<632x128xf32, #tpu.memory_space<hbm>>
      %dma_wait3A_39 = arith.constant 0 : i32
      %dma_wait3A_40 = tpu.memref_slice %arg11[%mul3A_29, %dma_wait3A_39] : memref<10112x128xf32, #tpu.memory_space<vmem_shared>> -> memref<632x128xf32, #tpu.memory_space<vmem_shared>>
      tpu.wait_dma2 semaphore(%run_scoped3A : memref<!tpu.dma_semaphore, #tpu.memory_space<semaphore_mem>>) src(%dma_wait3A_40 : memref<632x128xf32, #tpu.memory_space<vmem_shared>>) dst(%dma_wait3A_38 : memref<632x128xf32, #tpu.memory_space<hbm>>)
      tpu.yield
    }) : () -> ()
    return
  }
}

module attributes {stable_mosaic.version = 14 : i64} {
  func.func @_tc_lin1_body(%arg0: i32, %arg1: memref<5000x128xf32, #tpu.memory_space<vmem>>, %arg2: memref<128x128xf32, #tpu.memory_space<vmem>>, %arg3: memref<2x5000x128xf32, #tpu.memory_space<vmem>>, %arg4: memref<5000x128xf32, #tpu.memory_space<vmem>>) attributes {dimension_semantics = [#tpu.dimension_semantics<arbitrary>], iteration_bounds = array<i64: 2>, scalar_prefetch = 0 : i64, scratch_operands = 0 : i64, tpu.core_type = #tpu.core_type<tc>, window_params = [{transform_indices = @transform_0, window_bounds = array<i64: 5000, 128>}, {pipeline_mode = #tpu.pipeline_mode<synchronous>, transform_indices = @transform_1, window_bounds = array<i64: 128, 128>}, {transform_indices = @transform_2, window_bounds = array<i64: 2, 5000, 128>}, {transform_indices = @transform_3, window_bounds = array<i64: 5000, 128>}]} {
    %get3A = arith.constant 0 : index
    %get3A_0 = arith.constant 0 : index
    %get3A_1 = arith.constant 0 : index
    %get3A_2 = vector.load %arg3[%get3A, %get3A_0, %get3A_1] : memref<2x5000x128xf32, #tpu.memory_space<vmem>>, vector<2x5000x128xf32>
    %slice3A = vector.extract_strided_slice %get3A_2 {offsets = [0, 0, 0], sizes = [1, 5000, 1], strides = [1, 1, 1]} : vector<2x5000x128xf32> to vector<1x5000x1xf32>
    %squeeze3A = vector.shape_cast %slice3A : vector<1x5000x1xf32> to vector<5000x1xf32>
    %slice3A_3 = vector.extract_strided_slice %get3A_2 {offsets = [1, 0, 0], sizes = [1, 5000, 1], strides = [1, 1, 1]} : vector<2x5000x128xf32> to vector<1x5000x1xf32>
    %squeeze3A_4 = vector.shape_cast %slice3A_3 : vector<1x5000x1xf32> to vector<5000x1xf32>
    %add3A = arith.addf %squeeze3A, %squeeze3A_4 : vector<5000x1xf32>
    %max3A = arith.constant 1.000000e+00 : f32
    %max3A_5 = vector.broadcast %max3A : f32 to vector<5000x1xf32>
    %max3A_6 = arith.maximumf %add3A, %max3A_5 : vector<5000x1xf32>
    %rsqrt3A = math.rsqrt %max3A_6 : vector<5000x1xf32>
    %get3A_7 = arith.constant 0 : index
    %get3A_8 = arith.constant 0 : index
    %get3A_9 = vector.load %arg1[%get3A_7, %get3A_8] : memref<5000x128xf32, #tpu.memory_space<vmem>>, vector<5000x128xf32>
    %get3A_10 = arith.constant 0 : index
    %get3A_11 = arith.constant 0 : index
    %get3A_12 = vector.load %arg2[%get3A_10, %get3A_11] : memref<128x128xf32, #tpu.memory_space<vmem>>, vector<128x128xf32>
    %dot_general3A = arith.constant dense<0.000000e+00> : vector<5000x128xf32>
    %dot_general3A_13 = tpu.matmul %get3A_9, %get3A_12, %dot_general3A {dimension_numbers = #tpu.dot_dimension_numbers<[1], [0], [0], [1], [0, 0, 1, 1], [], []>, transpose_lhs_hint = false} : vector<5000x128xf32>, vector<128x128xf32>, vector<5000x128xf32> -> vector<5000x128xf32>
    %mul3A = vector.broadcast %rsqrt3A : vector<5000x1xf32> to vector<5000x128xf32>
    %mul3A_14 = arith.mulf %dot_general3A_13, %mul3A : vector<5000x128xf32>
    %swap3A = arith.constant 0 : index
    %swap3A_15 = arith.constant 0 : index
    %swap3A_16 = vector.load %arg4[%swap3A, %swap3A_15] : memref<5000x128xf32, #tpu.memory_space<vmem>>, vector<5000x128xf32>
    tpu.vector_store %arg4[%swap3A, %swap3A_15], %mul3A_14 {strides = array<i32>} : memref<5000x128xf32, #tpu.memory_space<vmem>>, vector<5000x128xf32>,
    return
  }
  func.func @transform_0(%arg0: i32) -> (i32, i32) {
    %c0_i32 = arith.constant 0 : i32
    %c0_i32_0 = arith.constant 0 : i32
    return %arg0, %c0_i32 : i32, i32
  }
  func.func @transform_1(%arg0: i32) -> (i32, i32) {
    %c0_i32 = arith.constant 0 : i32
    %c0_i32_0 = arith.constant 0 : i32
    %c0_i32_1 = arith.constant 0 : i32
    return %c0_i32, %c0_i32_0 : i32, i32
  }
  func.func @transform_2(%arg0: i32) -> (i32, i32, i32) {
    %c0_i32 = arith.constant 0 : i32
    %c0_i32_0 = arith.constant 0 : i32
    %c0_i32_1 = arith.constant 0 : i32
    return %c0_i32, %arg0, %c0_i32_0 : i32, i32, i32
  }
  func.func @transform_3(%arg0: i32) -> (i32, i32) {
    %c0_i32 = arith.constant 0 : i32
    %c0_i32_0 = arith.constant 0 : i32
    return %arg0, %c0_i32 : i32, i32
  }
}

module attributes {stable_mosaic.version = 14 : i64} {
  func.func @_tc_lin2_body(%arg0: i32, %arg1: memref<2x5000x128xf32, #tpu.memory_space<vmem>>, %arg2: memref<2x5000x128xf32, #tpu.memory_space<vmem>>, %arg3: memref<1x128xf32, #tpu.memory_space<vmem>>, %arg4: memref<128x128xf32, #tpu.memory_space<vmem>>, %arg5: memref<5000x128xf32, #tpu.memory_space<vmem>>) attributes {dimension_semantics = [#tpu.dimension_semantics<arbitrary>], iteration_bounds = array<i64: 2>, scalar_prefetch = 0 : i64, scratch_operands = 0 : i64, tpu.core_type = #tpu.core_type<tc>, window_params = [{transform_indices = @transform_0, window_bounds = array<i64: 2, 5000, 128>}, {transform_indices = @transform_1, window_bounds = array<i64: 2, 5000, 128>}, {pipeline_mode = #tpu.pipeline_mode<synchronous>, transform_indices = @transform_2, window_bounds = array<i64: 1, 128>}, {pipeline_mode = #tpu.pipeline_mode<synchronous>, transform_indices = @transform_3, window_bounds = array<i64: 128, 128>}, {transform_indices = @transform_4, window_bounds = array<i64: 5000, 128>}]} {
    %get3A = arith.constant 0 : index
    %get3A_0 = arith.constant 0 : index
    %get3A_1 = arith.constant 0 : index
    %get3A_2 = vector.load %arg2[%get3A, %get3A_0, %get3A_1] : memref<2x5000x128xf32, #tpu.memory_space<vmem>>, vector<2x5000x128xf32>
    %slice3A = vector.extract_strided_slice %get3A_2 {offsets = [0, 0, 0], sizes = [1, 5000, 1], strides = [1, 1, 1]} : vector<2x5000x128xf32> to vector<1x5000x1xf32>
    %squeeze3A = vector.shape_cast %slice3A : vector<1x5000x1xf32> to vector<5000x1xf32>
    %slice3A_3 = vector.extract_strided_slice %get3A_2 {offsets = [1, 0, 0], sizes = [1, 5000, 1], strides = [1, 1, 1]} : vector<2x5000x128xf32> to vector<1x5000x1xf32>
    %squeeze3A_4 = vector.shape_cast %slice3A_3 : vector<1x5000x1xf32> to vector<5000x1xf32>
    %add3A = arith.addf %squeeze3A, %squeeze3A_4 : vector<5000x1xf32>
    %max3A = arith.constant 1.000000e+00 : f32
    %max3A_5 = vector.broadcast %max3A : f32 to vector<5000x1xf32>
    %max3A_6 = arith.maximumf %add3A, %max3A_5 : vector<5000x1xf32>
    %rsqrt3A = math.rsqrt %max3A_6 : vector<5000x1xf32>
    %get3A_7 = arith.constant 0 : index
    %get3A_8 = arith.constant 0 : index
    %get3A_9 = arith.constant 0 : index
    %get3A_10 = vector.load %arg1[%get3A_7, %get3A_8, %get3A_9] : memref<2x5000x128xf32, #tpu.memory_space<vmem>>, vector<2x5000x128xf32>
    %slice3A_11 = vector.extract_strided_slice %get3A_10 {offsets = [0, 0, 0], sizes = [1, 5000, 128], strides = [1, 1, 1]} : vector<2x5000x128xf32> to vector<1x5000x128xf32>
    %squeeze3A_12 = vector.shape_cast %slice3A_11 : vector<1x5000x128xf32> to vector<5000x128xf32>
    %slice3A_13 = vector.extract_strided_slice %get3A_10 {offsets = [1, 0, 0], sizes = [1, 5000, 128], strides = [1, 1, 1]} : vector<2x5000x128xf32> to vector<1x5000x128xf32>
    %squeeze3A_14 = vector.shape_cast %slice3A_13 : vector<1x5000x128xf32> to vector<5000x128xf32>
    %add3A_15 = arith.addf %squeeze3A_12, %squeeze3A_14 : vector<5000x128xf32>
    %mul3A = vector.broadcast %rsqrt3A : vector<5000x1xf32> to vector<5000x128xf32>
    %mul3A_16 = arith.mulf %add3A_15, %mul3A : vector<5000x128xf32>
    %get3A_17 = arith.constant 0 : index
    %get3A_18 = arith.constant 0 : index
    %get3A_19 = vector.load %arg3[%get3A_17, %get3A_18] : memref<1x128xf32, #tpu.memory_space<vmem>>, vector<1x128xf32>
    %add3A_20 = vector.broadcast %get3A_19 : vector<1x128xf32> to vector<5000x128xf32>
    %add3A_21 = arith.addf %mul3A_16, %add3A_20 : vector<5000x128xf32>
    %max3A_22 = arith.constant 0.000000e+00 : f32
    %max3A_23 = vector.broadcast %max3A_22 : f32 to vector<5000x128xf32>
    %max3A_24 = arith.maximumf %add3A_21, %max3A_23 : vector<5000x128xf32>
    %get3A_25 = arith.constant 0 : index
    %get3A_26 = arith.constant 0 : index
    %get3A_27 = vector.load %arg4[%get3A_25, %get3A_26] : memref<128x128xf32, #tpu.memory_space<vmem>>, vector<128x128xf32>
    %dot_general3A = arith.constant dense<0.000000e+00> : vector<5000x128xf32>
    %dot_general3A_28 = tpu.matmul %max3A_24, %get3A_27, %dot_general3A {dimension_numbers = #tpu.dot_dimension_numbers<[1], [0], [0], [1], [0, 0, 1, 1], [], []>, transpose_lhs_hint = false} : vector<5000x128xf32>, vector<128x128xf32>, vector<5000x128xf32> -> vector<5000x128xf32>
    %mul3A_29 = vector.broadcast %rsqrt3A : vector<5000x1xf32> to vector<5000x128xf32>
    %mul3A_30 = arith.mulf %dot_general3A_28, %mul3A_29 : vector<5000x128xf32>
    %swap3A = arith.constant 0 : index
    %swap3A_31 = arith.constant 0 : index
    %swap3A_32 = vector.load %arg5[%swap3A, %swap3A_31] : memref<5000x128xf32, #tpu.memory_space<vmem>>, vector<5000x128xf32>
    tpu.vector_store %arg5[%swap3A, %swap3A_31], %mul3A_30 {strides = array<i32>} : memref<5000x128xf32, #tpu.memory_space<vmem>>, vector<5000x128xf32>,
    return
  }
  func.func @transform_0(%arg0: i32) -> (i32, i32, i32) {
    %c0_i32 = arith.constant 0 : i32
    %c0_i32_0 = arith.constant 0 : i32
    %c0_i32_1 = arith.constant 0 : i32
    return %c0_i32, %arg0, %c0_i32_0 : i32, i32, i32
  }
  func.func @transform_1(%arg0: i32) -> (i32, i32, i32) {
    %c0_i32 = arith.constant 0 : i32
    %c0_i32_0 = arith.constant 0 : i32
    %c0_i32_1 = arith.constant 0 : i32
    return %c0_i32, %arg0, %c0_i32_0 : i32, i32, i32
  }
  func.func @transform_2(%arg0: i32) -> (i32, i32) {
    %c0_i32 = arith.constant 0 : i32
    %c0_i32_0 = arith.constant 0 : i32
    %c0_i32_1 = arith.constant 0 : i32
    return %c0_i32, %c0_i32_0 : i32, i32
  }
  func.func @transform_3(%arg0: i32) -> (i32, i32) {
    %c0_i32 = arith.constant 0 : i32
    %c0_i32_0 = arith.constant 0 : i32
    %c0_i32_1 = arith.constant 0 : i32
    return %c0_i32, %c0_i32_0 : i32, i32
  }
  func.func @transform_4(%arg0: i32) -> (i32, i32) {
    %c0_i32 = arith.constant 0 : i32
    %c0_i32_0 = arith.constant 0 : i32
    return %arg0, %c0_i32 : i32, i32
  }
}

module attributes {stable_mosaic.version = 14 : i64} {
  func.func @_tc_out_body(%arg0: i32, %arg1: memref<2x5000x128xf32, #tpu.memory_space<vmem>>, %arg2: memref<2x5000x128xf32, #tpu.memory_space<vmem>>, %arg3: memref<1x128xf32, #tpu.memory_space<vmem>>, %arg4: memref<5000x128xf32, #tpu.memory_space<vmem>>) attributes {dimension_semantics = [#tpu.dimension_semantics<arbitrary>], iteration_bounds = array<i64: 2>, scalar_prefetch = 0 : i64, scratch_operands = 0 : i64, tpu.core_type = #tpu.core_type<tc>, window_params = [{transform_indices = @transform_0, window_bounds = array<i64: 2, 5000, 128>}, {transform_indices = @transform_1, window_bounds = array<i64: 2, 5000, 128>}, {pipeline_mode = #tpu.pipeline_mode<synchronous>, transform_indices = @transform_2, window_bounds = array<i64: 1, 128>}, {transform_indices = @transform_3, window_bounds = array<i64: 5000, 128>}]} {
    %get3A = arith.constant 0 : index
    %get3A_0 = arith.constant 0 : index
    %get3A_1 = arith.constant 0 : index
    %get3A_2 = vector.load %arg2[%get3A, %get3A_0, %get3A_1] : memref<2x5000x128xf32, #tpu.memory_space<vmem>>, vector<2x5000x128xf32>
    %slice3A = vector.extract_strided_slice %get3A_2 {offsets = [0, 0, 0], sizes = [1, 5000, 1], strides = [1, 1, 1]} : vector<2x5000x128xf32> to vector<1x5000x1xf32>
    %squeeze3A = vector.shape_cast %slice3A : vector<1x5000x1xf32> to vector<5000x1xf32>
    %slice3A_3 = vector.extract_strided_slice %get3A_2 {offsets = [1, 0, 0], sizes = [1, 5000, 1], strides = [1, 1, 1]} : vector<2x5000x128xf32> to vector<1x5000x1xf32>
    %squeeze3A_4 = vector.shape_cast %slice3A_3 : vector<1x5000x1xf32> to vector<5000x1xf32>
    %add3A = arith.addf %squeeze3A, %squeeze3A_4 : vector<5000x1xf32>
    %max3A = arith.constant 1.000000e+00 : f32
    %max3A_5 = vector.broadcast %max3A : f32 to vector<5000x1xf32>
    %max3A_6 = arith.maximumf %add3A, %max3A_5 : vector<5000x1xf32>
    %rsqrt3A = math.rsqrt %max3A_6 : vector<5000x1xf32>
    %get3A_7 = arith.constant 0 : index
    %get3A_8 = arith.constant 0 : index
    %get3A_9 = arith.constant 0 : index
    %get3A_10 = vector.load %arg1[%get3A_7, %get3A_8, %get3A_9] : memref<2x5000x128xf32, #tpu.memory_space<vmem>>, vector<2x5000x128xf32>
    %slice3A_11 = vector.extract_strided_slice %get3A_10 {offsets = [0, 0, 0], sizes = [1, 5000, 128], strides = [1, 1, 1]} : vector<2x5000x128xf32> to vector<1x5000x128xf32>
    %squeeze3A_12 = vector.shape_cast %slice3A_11 : vector<1x5000x128xf32> to vector<5000x128xf32>
    %slice3A_13 = vector.extract_strided_slice %get3A_10 {offsets = [1, 0, 0], sizes = [1, 5000, 128], strides = [1, 1, 1]} : vector<2x5000x128xf32> to vector<1x5000x128xf32>
    %squeeze3A_14 = vector.shape_cast %slice3A_13 : vector<1x5000x128xf32> to vector<5000x128xf32>
    %add3A_15 = arith.addf %squeeze3A_12, %squeeze3A_14 : vector<5000x128xf32>
    %mul3A = vector.broadcast %rsqrt3A : vector<5000x1xf32> to vector<5000x128xf32>
    %mul3A_16 = arith.mulf %add3A_15, %mul3A : vector<5000x128xf32>
    %get3A_17 = arith.constant 0 : index
    %get3A_18 = arith.constant 0 : index
    %get3A_19 = vector.load %arg3[%get3A_17, %get3A_18] : memref<1x128xf32, #tpu.memory_space<vmem>>, vector<1x128xf32>
    %add3A_20 = vector.broadcast %get3A_19 : vector<1x128xf32> to vector<5000x128xf32>
    %add3A_21 = arith.addf %mul3A_16, %add3A_20 : vector<5000x128xf32>
    %swap3A = arith.constant 0 : index
    %swap3A_22 = arith.constant 0 : index
    %swap3A_23 = vector.load %arg4[%swap3A, %swap3A_22] : memref<5000x128xf32, #tpu.memory_space<vmem>>, vector<5000x128xf32>
    tpu.vector_store %arg4[%swap3A, %swap3A_22], %add3A_21 {strides = array<i32>} : memref<5000x128xf32, #tpu.memory_space<vmem>>, vector<5000x128xf32>,
    return
  }
  func.func @transform_0(%arg0: i32) -> (i32, i32, i32) {
    %c0_i32 = arith.constant 0 : i32
    %c0_i32_0 = arith.constant 0 : i32
    %c0_i32_1 = arith.constant 0 : i32
    return %c0_i32, %arg0, %c0_i32_0 : i32, i32, i32
  }
  func.func @transform_1(%arg0: i32) -> (i32, i32, i32) {
    %c0_i32 = arith.constant 0 : i32
    %c0_i32_0 = arith.constant 0 : i32
    %c0_i32_1 = arith.constant 0 : i32
    return %c0_i32, %arg0, %c0_i32_0 : i32, i32, i32
  }
  func.func @transform_2(%arg0: i32) -> (i32, i32) {
    %c0_i32 = arith.constant 0 : i32
    %c0_i32_0 = arith.constant 0 : i32
    %c0_i32_1 = arith.constant 0 : i32
    return %c0_i32, %c0_i32_0 : i32, i32
  }
  func.func @transform_3(%arg0: i32) -> (i32, i32) {
    %c0_i32 = arith.constant 0 : i32
    %c0_i32_0 = arith.constant 0 : i32
    return %arg0, %c0_i32 : i32, i32
  }
}

</mosaic_0001>

<sc_bundles>
// kernel: kernel.11.cloned.1.call-start
scs
__scs_entry_jumppad:
0x0: {  	(pc) =	sbr.rel $0x88, $3  }
0x1: {  	(tag) =	ssettag $0x0;
	lr =	simm.s32 $0x1  }
0x2: {  	[smem:$0x3F9B] =	sst lr;
	_ =	strace $0xD0000000  }
0x3: {  	_ = 	snop  }
0x4: {  	_ = 	snop  }
0x5: {  	_ = 	snop  }
0x6: {  	_ = 	snop  }
0x7: {  	_ = 	snop  }
__scs_overlays_trampoline_lowered:
0x8: {  	[smem:$0x3FAA] =	sst s0  }
0x9: {  	[smem:$0x3FAB] =	sst s1  }
0xa: {  	[smem:$0x3FAC] =	sst s2  }
0xb: {  	[smem:$0x3FAD] =	sst s3  }
0xc: {  	[smem:$0x3FAE] =	sst s4  }
0xd: {  	[smem:$0x3FAF] =	sst s5  }
0xe: {  	[smem:$0x3FB0] =	sst s6  }
0xf: {  	[smem:$0x3FB1] =	sst s7  }
0x10: {  	[smem:$0x3FB2] =	sst s8  }
0x11: {  	[smem:$0x3FB3] =	sst s9;
	s0 =	simm.s32 @!p0 $0x0  }
0x12: {  	s1 =	sld [smem:$0x3F99];
	s0 =	simm.s32 @p0 $0x1  }
0x13: {  	[smem:$0x3FB4] =	sst s0;
	s0 =	simm.s32 @!p1 $0x0  }
0x14: {  	s2 =	sld [smem:$0x3F98];
	s0 =	simm.s32 @p1 $0x1  }
0x15: {  	[smem:$0x3FB5] =	sst s0;
	s0 =	simm.s32 @!p2 $0x0  }
0x16: {  	s3 =	sld [smem:$0x3FDB];
	s0 =	simm.s32 @p2 $0x1  }
0x17: {  	s4 =	simm.s32 $0x1BF5;
	[smem:$0x3FB7] =	sst s0  }
0x18: {  	s0 =	sld [smem:$0x3F9A];
	_ =	swait.ge [sflag:s4], $0x0  }
0x19: {  	s7 =	sld [smem:$0x3F9B]  }
0x1a: {  	s8 =	sadd.s32 $0xFFFFE003, lr  }
0x1b: {  	s9 =	sadd.s32 $0xFFFFFEF7, lr;
	s5 =	simm.s32 $0xFFFFFFFF;
	p2 =	slt.u32 s8, $0xFFFFF086  }
0x1c: {  	p1 =	slt.u32 s9, $0xF7A;
	s5 =	simm.s32 @!p2 $0x0  }
0x1d: {  	s5 =	simm.s32 @p1 $0x1;
	p0 =	seq.s32 s7, s2  }
0x1e: {  	s7 =	smul.u32 @!p0 $0xF7A, s2;
	p2 =	seq.s32 @!p0 s5, $0x0  }
0x1f: {  	s9 =	smul.u32 $0xF7A, s1;
	s8 =	simm.s32 @!p0 $0x1BF5;
	p2 =	por !p2, p0  }
0x20: {  	[sflag:s8] =	ssyncset.s32 @!p0 $0xFFFFF086;
	s6 =	sadd.s32 @!p0 s3, s7;
	s7 =	simm.s32 @!p0 $0x108  }
0x21: {  	s3 =	sadd.s32 s3, s9;
	s6 =	sadd.s32 @!p0 $0x88, s6;
	s7 =	simm.s32 @p2 $0x1082  }
0x22: {  	[simem:s7], [sflag:s8] =	dma.local @!p0 [hbm:s6], $0xF7A  }
0x23: {  	s9 =	sor.u32 $0xD0000000, s2;
	s6 =	simm.s32 $0x108;
	_ =	swait.ge @!p0 [sflag:s8], $0x0  }
0x24: {  	s3 =	sadd.s32 $0x88, s3;
	s6 =	simm.s32 @!p1 $0x1082;
	[sflag:s4] =	ssyncset.s32 $0xFFFFF086  }
0x25: {  	[simem:s6], [sflag:s4] =	dma.local [hbm:s3], $0xF7A  }
0x26: {  	[smem:$0x3F9B] =	sst s1;
	(tag) =	ssettag s2;
	_ =	strace s9  }
0x27: {  	s1 =	sld [smem:$0x3FAB]  }
0x28: {  	s2 =	sld [smem:$0x3FAC]  }
0x29: {  	s4 =	sld [smem:$0x3FAE]  }
0x2a: {  	p0 =	seq.s32 s5, $0x0;
	s5 =	sld [smem:$0x3FAF]  }
0x2b: {  	s6 =	sld [smem:$0x3FB0]  }
0x2c: {  	s7 =	sld [smem:$0x3FB1]  }
0x2d: {  	s3 =	simm.s32 $0x108;
	s8 =	sld [smem:$0x3FB2]  }
0x2e: {  	s3 =	simm.s32 @!p0 $0x1082;
	s9 =	sld [smem:$0x3FB3]  }
0x2f: {  	lr =	sadd.s32 s0, s3;
	s0 =	sld [smem:$0x3FAA]  }
0x30: {  	s3 =	sld [smem:$0x3FAD]  }
0x31: {  	[smem:$0x3FB6] =	sst s10  }
0x32: {  	s10 =	sld [smem:$0x3FB4];
	_ =	sdelay $0x3  }
0x33: {  	p0 =	seq.s32 s10, $0x1;
	s10 =	sld [smem:$0x3FB6];
	_ =	sdelay $0x3  }
0x34: {  	[smem:$0x3FB6] =	sst s10  }
0x35: {  	s10 =	sld [smem:$0x3FB5];
	_ =	sdelay $0x3  }
0x36: {  	p1 =	seq.s32 s10, $0x1;
	s10 =	sld [smem:$0x3FB6];
	_ =	sdelay $0x3  }
0x37: {  	[smem:$0x3FB6] =	sst s10  }
0x38: {  	s10 =	sld [smem:$0x3FB7]  }
0x39: {  	_ = 	snop;
	(pc) =	sbr.ind lr, $3  }
0x3a: {  	_ = 	snop  }
0x3b: {  	_ = 	snop  }
0x3c: {  	p2 =	seq.s32 s10, $0x1;
	s10 =	sld [smem:$0x3FB6]  }
0x3d: {  	_ =	shalt  }
0x3e: {  	_ =	shalt  }
0x3f: {  	_ =	shalt  }
0x40: {  	_ =	shalt  }
0x41: {  	_ =	shalt  }
0x42: {  	_ =	shalt  }
0x43: {  	_ =	shalt  }
0x44: {  	_ =	shalt  }
0x45: {  	_ =	shalt  }
0x46: {  	_ =	shalt  }
0x47: {  	_ =	shalt  }
0x48: {  	_ =	shalt  }
0x49: {  	_ =	shalt  }
0x4a: {  	_ =	shalt  }
0x4b: {  	_ =	shalt  }
0x4c: {  	_ =	shalt  }
0x4d: {  	_ =	shalt  }
0x4e: {  	_ =	shalt  }
0x4f: {  	_ =	shalt  }
0x50: {  	_ =	shalt  }
0x51: {  	_ =	shalt  }
0x52: {  	_ =	shalt  }
0x53: {  	_ =	shalt  }
0x54: {  	_ =	shalt  }
0x55: {  	_ =	shalt  }
0x56: {  	_ =	shalt  }
0x57: {  	_ =	shalt  }
0x58: {  	_ =	shalt  }
0x59: {  	_ =	shalt  }
0x5a: {  	_ =	shalt  }
0x5b: {  	_ =	shalt  }
0x5c: {  	_ =	shalt  }
0x5d: {  	_ =	shalt  }
0x5e: {  	_ =	shalt  }
0x5f: {  	_ =	shalt  }
0x60: {  	_ =	shalt  }
0x61: {  	_ =	shalt  }
0x62: {  	_ =	shalt  }
0x63: {  	_ =	shalt  }
0x64: {  	_ =	shalt  }
0x65: {  	_ =	shalt  }
0x66: {  	_ =	shalt  }
0x67: {  	_ =	shalt  }
0x68: {  	_ =	shalt  }
0x69: {  	_ =	shalt  }
0x6a: {  	_ =	shalt  }
0x6b: {  	_ =	shalt  }
0x6c: {  	_ =	shalt  }
0x6d: {  	_ =	shalt  }
0x6e: {  	_ =	shalt  }
0x6f: {  	_ =	shalt  }
0x70: {  	_ =	shalt  }
0x71: {  	_ =	shalt  }
0x72: {  	_ =	shalt  }
0x73: {  	_ =	shalt  }
0x74: {  	_ =	shalt  }
0x75: {  	_ =	shalt  }
0x76: {  	_ =	shalt  }
0x77: {  	_ =	shalt  }
0x78: {  	_ =	shalt  }
0x79: {  	_ =	shalt  }
0x7a: {  	_ =	shalt  }
0x7b: {  	_ =	shalt  }
0x7c: {  	_ =	shalt  }
0x7d: {  	_ =	shalt  }
0x7e: {  	_ =	shalt  }
0x7f: {  	_ =	shalt  }
0x80: {  	_ =	shalt  }
0x81: {  	_ =	shalt  }
0x82: {  	_ =	shalt  }
0x83: {  	_ =	shalt  }
0x84: {  	_ =	shalt  }
0x85: {  	_ =	shalt  }
0x86: {  	_ =	shalt  }
0x87: {  	_ =	shalt  }
.Lfunc_end0:
.L_simem_size_0:
called_computation.1_lowered:
.L_overlay_start_0:
0x88: {  	s2 =	sld [smem:$0x3FD9]  }
0x89: {  	s3 =	sld [smem:$0x3FFE];
	_ =	sdelay $0x1  }
0x8a: {  	s1 =	srdreg.scid  }
0x8b: {  	s0 =	sand.u32 $0x1, s1  }
0x8c: {  	s17 =	sshll.u32 s0, $0xA;
	s2 =	sadd.s32 s3, s2  }
0x8d: {  	s2 =	sadd.s32 s2, s17  }
0x8e: {  	[smem:$0x3FC2] =	sst s2  }
0x8f: {  	_ = 	snop  }
0x90: {  	s2 =	sld [smem:$0x3FD0];
	(tm) =	ssettm $0x1  }
0x91: {  	s18 =	sld [smem:$0x3FFB];
	_ =	sdelay $0x3  }
0x92: {  	_ =	strace s18  }
0x93: {  	s3 =	sld [smem:$0x3FFC];
	_ =	sdelay $0x3  }
0x94: {  	_ =	strace s3  }
0x95: {  	s3 =	sld [smem:$0x3FFD];
	_ =	sdelay $0x3  }
0x96: {  	_ =	strace s3  }
0x97: {  	_ =	strace $0x8FFFFFFF  }
0x98: {  	s19 =	sld [smem:$0x3FDB];
	_ =	sdelay $0x1  }
0x99: {  	s4 =	simm.s32 $_scs_section_size  }
0x9a: {  	s5 =	simm.s32 $_size__tile_overlayer_lowered;
	s6 =	simm.s32 $_tile_overlayer_lowered  }
0x9b: {  	s22 =	simm.s32 $0x1BFF;
	s21 =	sshll.u32 s6, $0x1;
	s3 =	sadd.s32 s4, s19  }
0x9c: {  	s7 =	simm.s32 $0x0;
	s20 =	sshll.u32 s5, $0x1;
	s5 =	sadd.s32 s21, s3  }
0x9d: {  	[timem:s7], [sflag:s22] =	dma.local [hbm:s5], s20  }
0x9e: {  	_ =	swait.ge [sflag:s22], s20  }
0x9f: {  	s4 =	ssub.s32 $0x0, s20;
	[sflag:s22] =	ssyncset.done $0x0  }
0xa0: {  	[sflag:s22] =	ssyncadd.s32 s4;
	_ =	sdelay $0x1  }
0xa1: {  	s23 =	simm.s32 $0x1B8B  }
0xa2: {  	_ =	swait.ge [sflag:s23], $0x1  }
0xa3: {  	[sflag:s23] =	ssyncset.done $0x0  }
0xa4: {  	s25 =	simm.s32 $0x1B8E;
	s24 =	sld [smem:$0x3FFE];
	[sflag:s23] =	ssyncadd.s32 $0xFFFFFFFF  }
0xa5: {  	s26 =	simm.s32 $execute0_lowered;
	[smem:$0x3FD2] =	sst s25  }
0xa6: {  	s5 =	sshll.u32 s26, $0x1;
	_ =	strace $0x80000049;
	[dreg:$0x1] =	wrdreg $0xFFFFFFFF  }
0xa7: {  	s28 =	simm.s32 $_size_execute0_lowered;
	s3 =	sadd.s32 s3, s5;
	[dreg:$0x0] =	wrdreg $0x0  }
0xa8: {  	s5 =	sshll.u32 s28, $0x1;
	[dreg:$0x2] =	wrdreg s3  }
0xa9: {  	[dreg:$0x3] =	wrdreg s5  }
0xaa: {  	[dreg:$0x4] =	wrdreg $0xC0  }
0xab: {  	_ =	task [dreg:s7], $0x5FFFF  }
0xac: {  	[dreg:$0x1] =	wrdreg $0xFFFFFFFF  }
0xad: {  	[dreg:$0x0] =	wrdreg $0x60  }
0xae: {  	[dreg:$0x2] =	wrdreg s2  }
0xaf: {  	[dreg:$0x3] =	wrdreg s24  }
0xb0: {  	[dreg:$0x4] =	wrdreg $0xA8000  }
0xb1: {  	[dreg:$0x5] =	wrdreg $0x9  }
0xb2: {  	_ =	task.clear_ibuf [dreg:s7], $0x6FFFF;
	_ =	strace $0x90000049  }
0xb3: {  	s29 =	simm.s32 $0x9;
	_ =	strace $0x8000004B  }
0xb4: {  	_ =	swait.ge [sflag:s29], $0x1  }
0xb5: {  	[sflag:s29] =	ssyncadd.s32 $0xFFFFFFFF  }
0xb6: {  	_ =	strace $0x9000004B  }
0xb7: {  	_ =	sfence  }
0xb8: {  	s30 =	sld [smem:$0x0];
	_ =	sdelay $0x2  }
0xb9: {  	s31 =	sshll.u32 s1, $0xD;
	s1 =	sshrl.u32 s1, $0x2  }
0xba: {  	s3 =	sand.u32 $0x4000, s31;
	s1 =	sadd.s32 s1, s30  }
0xbb: {  	s0 =	sor.u32 s3, s0;
	s1 =	sshll.u32 s1, $0x11  }
0xbc: {  	s0 =	sor.u32 s1, s0  }
0xbd: {  	s0 =	sadd.s32 $0x8F2B, s0  }
0xbe: {  	[sflag:s0] =	ssyncadd.remote.s32 $0x1  }
0xbf: {  	_ =	sfence.sel $0xFFFF  }
0xc0: {  	[dreg:$0x0] =	wrdreg $0xFFFFFFFF;
	(pc) =	sbr.abs _section_cstart, $3  }
0xc1: {  	[dreg:$0x1] =	wrdreg $0xFFFFFFFF  }
0xc2: {  	_ =	task.clear_ibuf [dreg:s7], $0x2FFFF;
	_ =	strace $0x9FFFFFFF  }
0xc3: {  	(tm) =	ssettm $0x7FFFFFFF  }
tec
execute0_lowered:
.L_overlay_start_1:
0x0: {  	(tag) =	ssettag $0x1  }
0x1: {  	s1 =	rddreg [dreg:$0x0]  }
0x2: {  	s6 =	rddreg [dreg:$0x1]  }
0x3: {  	s2 =	rddreg [dreg:$0x2];
	s3 =	srdreg.scid  }
0x4: {  	s0 =	rddreg [dreg:$0x3];
	s4 =	simm.s32 $0x0;
	s15 =	simm.s32 $0x1400  }
0x5: {  	s16 =	simm.s32 $0x80;
	s17 =	simm.s32 $0x2800;
	s18 =	simm.s32 $0x6800  }
0x6: {  	s19 =	simm.s32 $0x1;
	s20 =	simm.s32 $0x2;
	s21 =	simm.s32 $0x1380  }
0x7: {  	s22 =	simm.s32 $0x2700;
	s5 =	sand.u32 $0x1, s3;
	s3 =	stileid.u32  }
0x8: {  	[smem:$0x7FF] =	sst s4;
	s9 =	sadd.s32 $0x5E200, s6;
	s7 =	smul.u32 $0x13C000, s5  }
0x9: {  	s10 =	sadd.s32 $0x2A00, s6;
	s8 =	smul.u32 $0x13C00, s3;
	_ =	strace $0x8000004A  }
0xa: {  	s23 =	sshll.u32 s5, $0x4;
	s11 =	ssub.s32 $0x2, s5;
	s25 =	smul.u32 $0x4F000, s3  }
0xb: {  	s5 =	sadd.s32 $0xCA00, s6;
	s28 =	sshll.u32 s3, $0x6;
	s24 =	sor.u32 s3, s23  }
0xc: {  	s12 =	sshrl.u32 s11, $0x1;
	s23 =	simm.s32 $0x2780;
	s7 =	sadd.s32 s8, s7  }
0xd: {  	s13 =	smul.u32 $0x2800, s24;
	s12 =	ssub.s32 s11, s12;
	s26 =	sshrl.u32 s25, $0x2  }
0xe: {  	s24 =	simm.s32 $0x0;
	s7 =	sshrl.u32 s7, $0x3;
	s30 =	sadd.s32 s26, s2  }
0xf: {  	s12 =	smax.u32 s12, $0x1;
	s14 =	sadd.s32 s7, s6;
	s29 =	sshrl.u32 s13, $0x3  }
0x10: {  	s6 =	sor.u32 $0x1C03, s28;
	s13 =	sshrl.u32 s30, $0x3;
	s31 =	sadd.s32 $0x280, s29  }
0x11: {  	s7 =	sadd.s32 s9, s29;
	s8 =	sadd.s32 s10, s29;
	s11 =	sadd.s32 $0x68200, s14  }
0x12: {  	s14 =	simm.s32 $0x3;
	s9 =	sadd.s32 s9, s31;
	s10 =	sadd.s32 s10, s31  }
.LBB2_1:
0x13: {  	[spmem:s13], [sflag:s6] =	dma.local [hbm:s5], $0x2780  }
0x14: {  	_ =	swait.ge [sflag:s14], $0x2780  }
0x15: {  	[sflag:s14] =	ssyncset.done $0x0  }
0x16: {  	[sflag:s14] =	ssyncadd.s32 $0xFFFFD880  }
0x17: {  	[bflag:$0x0] =	sbarrier.arrive $0xFFFF  }
0x18: {  	[tilespmem:s4], [sflag:$0x3] =	stream.linear.gather [hbm4b:s7+s4], $0x1400, $0x38;
	[tilespmem:$0x1E400] =	vst v63  }
0x19: {  	_ =	swait.ge [sflag:s14], $0x1400  }
0x1a: {  	[sflag:s14] =	ssyncset.done $0x0  }
0x1b: {  	[sflag:s14] =	ssyncadd.s32 $0xFFFFEC00  }
0x1c: {  	[tilespmem:s15], [sflag:$0x3] =	stream.linear.gather [hbm4b:s8+s4], $0x1400, $0x38;
	[tilespmem:$0x1E400] =	vst v63  }
0x1d: {  	_ =	swait.ge [sflag:s14], $0x1400  }
0x1e: {  	[sflag:s14] =	ssyncset.done $0x0  }
0x1f: {  	[sflag:s14] =	ssyncadd.s32 $0xFFFFEC00  }
0x20: {  	[tilespmem:s17], [sflag:$0x1] =	stream.indirect.gather [hbm4b:s1+s16], $0x80, s4, s16, $0xb8;
	[tilespmem:$0x1E400] =	vst v63  }
0x21: {  	s25 =	simm.s32 $0x80  }
0x22: {  	[tilespmem:s18], [sflag:$0x2] =	stream.indirect.gather [hbm4b:s1+s16], $0x80, s25, s16, $0xb8;
	[tilespmem:$0x1E400] =	vst v63  }
0x23: {  	_ =	swait.ge [sflag:s19], $0x4000  }
0x24: {  	[sflag:s19] =	ssyncset.done $0x0  }
0x25: {  	s29 =	simm.s32 $0x1400;
	[sflag:s19] =	ssyncadd.s32 $0xFFFFC000  }
0x26: {  	[spmem:s2] =	stream.indirect.scatter.add.f32 [tilespmem:s17], [sflag:$0x3], $0x80, s29, s16, $0xb8;
	[tilespmem:$0x1E400] =	vst v63  }
0x27: {  	_ =	swait.ge [sflag:s14], $0x4000  }
0x28: {  	[sflag:s14] =	ssyncset.done $0x0  }
0x29: {  	s30 =	simm.s32 $0x100;
	[sflag:s14] =	ssyncadd.s32 $0xFFFFC000  }
0x2a: {  	[tilespmem:s17], [sflag:$0x1] =	stream.indirect.gather [hbm4b:s1+s16], $0x80, s30, s16, $0xb8;
	[tilespmem:$0x1E400] =	vst v63  }
0x2b: {  	_ =	swait.ge [sflag:s20], $0x4000  }
0x2c: {  	[sflag:s20] =	ssyncset.done $0x0  }
0x2d: {  	s31 =	simm.s32 $0x1480;
	[sflag:s20] =	ssyncadd.s32 $0xFFFFC000  }
0x2e: {  	[spmem:s2] =	stream.indirect.scatter.add.f32 [tilespmem:s18], [sflag:$0x3], $0x80, s31, s16, $0xb8;
	[tilespmem:$0x1E400] =	vst v63  }
0x2f: {  	_ =	swait.ge [sflag:s14], $0x4000  }
0x30: {  	s26 =	simm.s32 $0x800;
	s25 =	simm.s32 $0x100;
	[sflag:s14] =	ssyncset.done $0x0  }
.LBB2_2:
0x31: {  	s28 =	sadd.s32 $0x80, s25  }
0x32: {  	[sflag:s14] =	ssyncadd.s32 $0xFFFFC000;
	s29 =	smov.u32 s26;
	s30 =	sadd.s32 $0x400, s26  }
0x33: {  	[tilespmem:s18], [sflag:$0x2] =	stream.indirect.gather [hbm4b:s1+s16], $0x80, s28, s16, $0xb8;
	[tilespmem:$0x1E400] =	vst v63  }
0x34: {  	p0 =	sne.s32 s26, $0x4800;
	_ =	swait.ge [sflag:s19], $0x4000  }
0x35: {  	[sflag:s19] =	ssyncset.done $0x0  }
0x36: {  	s26 =	sadd.s32 $0x1400, s25;
	[sflag:s19] =	ssyncadd.s32 $0xFFFFC000  }
0x37: {  	[spmem:s2] =	stream.indirect.scatter.add.f32 [tilespmem:s17], [sflag:$0x3], $0x80, s26, s16, $0xb8;
	[tilespmem:$0x1E400] =	vst v63  }
0x38: {  	_ =	swait.ge [sflag:s14], $0x4000  }
0x39: {  	[sflag:s14] =	ssyncset.done $0x0  }
0x3a: {  	s26 =	sadd.s32 $0x100, s25;
	[sflag:s14] =	ssyncadd.s32 $0xFFFFC000  }
0x3b: {  	[tilespmem:s17], [sflag:$0x1] =	stream.indirect.gather [hbm4b:s1+s16], $0x80, s26, s16, $0xb8;
	[tilespmem:$0x1E400] =	vst v63  }
0x3c: {  	_ =	swait.ge [sflag:s20], $0x4000  }
.Ltmp0:
0x3d: {  	[sflag:s20] =	ssyncset.done $0x0;
	(pc) =	sbr.rel @p0 .LBB2_2-.Ltmp0, $4  }
0x3e: {  	s25 =	sadd.s32 $0x1480, s25;
	[sflag:s20] =	ssyncadd.s32 $0xFFFFC000  }
0x3f: {  	[spmem:s2] =	stream.indirect.scatter.add.f32 [tilespmem:s18], [sflag:$0x3], $0x80, s25, s16, $0xb8;
	[tilespmem:$0x1E400] =	vst v63  }
0x40: {  	_ =	swait.ge [sflag:s14], $0x4000  }
0x41: {  	s26 =	smov.u32 s30;
	s25 =	sshra.s32 s29, $0x2;
	[sflag:s14] =	ssyncset.done $0x0  }
0x42: {  	s26 =	sadd.s32 $0x80, s25;
	[sflag:s14] =	ssyncadd.s32 $0xFFFFC000  }
0x43: {  	[tilespmem:s18], [sflag:$0x2] =	stream.indirect.gather [hbm4b:s1+s16], $0x80, s26, s16, $0xb8;
	[tilespmem:$0x1E400] =	vst v63  }
0x44: {  	_ =	swait.ge [sflag:s19], $0x4000  }
0x45: {  	[sflag:s19] =	ssyncset.done $0x0  }
0x46: {  	s29 =	sadd.s32 $0x1400, s25;
	[sflag:s19] =	ssyncadd.s32 $0xFFFFC000  }
0x47: {  	[spmem:s2] =	stream.indirect.scatter.add.f32 [tilespmem:s17], [sflag:$0x3], $0x80, s29, s16, $0xb8;
	[tilespmem:$0x1E400] =	vst v63  }
0x48: {  	_ =	swait.ge [sflag:s14], $0x4000  }
0x49: {  	[sflag:s14] =	ssyncset.done $0x0  }
0x4a: {  	s30 =	sadd.s32 $0x100, s25;
	[sflag:s14] =	ssyncadd.s32 $0xFFFFC000  }
0x4b: {  	[tilespmem:s17], [sflag:$0x1] =	stream.indirect.gather [hbm4b:s1+s16], $0x80, s30, s16, $0xb8;
	[tilespmem:$0x1E400] =	vst v63  }
0x4c: {  	_ =	swait.ge [sflag:s20], $0x4000  }
0x4d: {  	[sflag:s20] =	ssyncset.done $0x0  }
0x4e: {  	s31 =	sadd.s32 $0x1480, s25;
	[sflag:s20] =	ssyncadd.s32 $0xFFFFC000  }
0x4f: {  	[spmem:s2] =	stream.indirect.scatter.add.f32 [tilespmem:s18], [sflag:$0x3], $0x80, s31, s16, $0xb8;
	[tilespmem:$0x1E400] =	vst v63  }
0x50: {  	_ =	swait.ge [sflag:s14], $0x4000  }
0x51: {  	[sflag:s14] =	ssyncset.done $0x0  }
0x52: {  	[sflag:s14] =	ssyncadd.s32 $0xFFFFC000  }
0x53: {  	[tilespmem:s18], [sflag:$0x2] =	stream.indirect.gather [hbm4b:s1+s16], $0x80, s21, s16, $0xb8;
	[tilespmem:$0x1E400] =	vst v63  }
0x54: {  	_ =	swait.ge [sflag:s19], $0x4000  }
0x55: {  	[sflag:s19] =	ssyncset.done $0x0  }
0x56: {  	[sflag:s19] =	ssyncadd.s32 $0xFFFFC000  }
0x57: {  	[spmem:s2] =	stream.indirect.scatter.add.f32 [tilespmem:s17], [sflag:$0x3], $0x80, s22, s16, $0xb8;
	[tilespmem:$0x1E400] =	vst v63  }
0x58: {  	_ =	swait.ge [sflag:s14], $0x4000  }
0x59: {  	[sflag:s14] =	ssyncset.done $0x0  }
0x5a: {  	[sflag:s14] =	ssyncadd.s32 $0xFFFFC000  }
0x5b: {  	_ =	swait.ge [sflag:s20], $0x4000  }
0x5c: {  	[sflag:s20] =	ssyncset.done $0x0  }
0x5d: {  	[sflag:s20] =	ssyncadd.s32 $0xFFFFC000  }
0x5e: {  	[spmem:s2] =	stream.indirect.scatter.add.f32 [tilespmem:s18], [sflag:$0x3], $0x80, s23, s16, $0xb8;
	[tilespmem:$0x1E400] =	vst v63  }
0x5f: {  	_ =	swait.ge [sflag:s14], $0x4000  }
0x60: {  	[sflag:s14] =	ssyncset.done $0x0  }
0x61: {  	s26 =	simm.s32 $0x0;
	[sflag:s14] =	ssyncadd.s32 $0xFFFFC000  }
0x62: {  	[tilespmem:s26], [sflag:$0x3] =	stream.linear.gather [hbm4b:s9+s26], $0x1400, $0x38;
	[tilespmem:$0x1E400] =	vst v63  }
0x63: {  	_ =	swait.ge [sflag:s14], $0x1400  }
0x64: {  	[sflag:s14] =	ssyncset.done $0x0  }
0x65: {  	[sflag:s14] =	ssyncadd.s32 $0xFFFFEC00  }
0x66: {  	[tilespmem:s15], [sflag:$0x3] =	stream.linear.gather [hbm4b:s10+s26], $0x1400, $0x38;
	[tilespmem:$0x1E400] =	vst v63  }
0x67: {  	_ =	swait.ge [sflag:s14], $0x1400  }
0x68: {  	[sflag:s14] =	ssyncset.done $0x0  }
0x69: {  	[sflag:s14] =	ssyncadd.s32 $0xFFFFEC00  }
0x6a: {  	[tilespmem:s17], [sflag:$0x1] =	stream.indirect.gather [hbm4b:s1+s16], $0x80, s26, s16, $0xb8;
	[tilespmem:$0x1E400] =	vst v63  }
0x6b: {  	s28 =	simm.s32 $0x80  }
0x6c: {  	[tilespmem:s18], [sflag:$0x2] =	stream.indirect.gather [hbm4b:s1+s16], $0x80, s28, s16, $0xb8;
	[tilespmem:$0x1E400] =	vst v63  }
0x6d: {  	_ =	swait.ge [sflag:s19], $0x4000  }
0x6e: {  	[sflag:s19] =	ssyncset.done $0x0  }
0x6f: {  	s29 =	simm.s32 $0x1400;
	[sflag:s19] =	ssyncadd.s32 $0xFFFFC000  }
0x70: {  	[spmem:s2] =	stream.indirect.scatter.add.f32 [tilespmem:s17], [sflag:$0x3], $0x80, s29, s16, $0xb8;
	[tilespmem:$0x1E400] =	vst v63  }
0x71: {  	_ =	swait.ge [sflag:s14], $0x4000  }
0x72: {  	[sflag:s14] =	ssyncset.done $0x0  }
0x73: {  	s30 =	simm.s32 $0x100;
	[sflag:s14] =	ssyncadd.s32 $0xFFFFC000  }
0x74: {  	[tilespmem:s17], [sflag:$0x1] =	stream.indirect.gather [hbm4b:s1+s16], $0x80, s30, s16, $0xb8;
	[tilespmem:$0x1E400] =	vst v63  }
0x75: {  	_ =	swait.ge [sflag:s20], $0x4000  }
0x76: {  	[sflag:s20] =	ssyncset.done $0x0  }
0x77: {  	s31 =	simm.s32 $0x1480;
	[sflag:s20] =	ssyncadd.s32 $0xFFFFC000  }
0x78: {  	[spmem:s2] =	stream.indirect.scatter.add.f32 [tilespmem:s18], [sflag:$0x3], $0x80, s31, s16, $0xb8;
	[tilespmem:$0x1E400] =	vst v63  }
0x79: {  	_ =	swait.ge [sflag:s14], $0x4000  }
0x7a: {  	s25 =	simm.s32 $0x100;
	s26 =	simm.s32 $0x800;
	[sflag:s14] =	ssyncset.done $0x0  }
.LBB2_4:
0x7b: {  	s28 =	sadd.s32 $0x80, s25  }
0x7c: {  	[sflag:s14] =	ssyncadd.s32 $0xFFFFC000;
	s29 =	smov.u32 s26;
	s30 =	sadd.s32 $0x400, s26  }
0x7d: {  	[tilespmem:s18], [sflag:$0x2] =	stream.indirect.gather [hbm4b:s1+s16], $0x80, s28, s16, $0xb8;
	[tilespmem:$0x1E400] =	vst v63  }
0x7e: {  	p0 =	sne.s32 s26, $0x4800;
	_ =	swait.ge [sflag:s19], $0x4000  }
0x7f: {  	[sflag:s19] =	ssyncset.done $0x0  }
0x80: {  	s26 =	sadd.s32 $0x1400, s25;
	[sflag:s19] =	ssyncadd.s32 $0xFFFFC000  }
0x81: {  	[spmem:s2] =	stream.indirect.scatter.add.f32 [tilespmem:s17], [sflag:$0x3], $0x80, s26, s16, $0xb8;
	[tilespmem:$0x1E400] =	vst v63  }
0x82: {  	_ =	swait.ge [sflag:s14], $0x4000  }
0x83: {  	[sflag:s14] =	ssyncset.done $0x0  }
0x84: {  	s26 =	sadd.s32 $0x100, s25;
	[sflag:s14] =	ssyncadd.s32 $0xFFFFC000  }
0x85: {  	[tilespmem:s17], [sflag:$0x1] =	stream.indirect.gather [hbm4b:s1+s16], $0x80, s26, s16, $0xb8;
	[tilespmem:$0x1E400] =	vst v63  }
0x86: {  	_ =	swait.ge [sflag:s20], $0x4000  }
.Ltmp1:
0x87: {  	[sflag:s20] =	ssyncset.done $0x0;
	(pc) =	sbr.rel @p0 .LBB2_4-.Ltmp1, $4  }
0x88: {  	s25 =	sadd.s32 $0x1480, s25;
	[sflag:s20] =	ssyncadd.s32 $0xFFFFC000  }
0x89: {  	[spmem:s2] =	stream.indirect.scatter.add.f32 [tilespmem:s18], [sflag:$0x3], $0x80, s25, s16, $0xb8;
	[tilespmem:$0x1E400] =	vst v63  }
0x8a: {  	_ =	swait.ge [sflag:s14], $0x4000  }
0x8b: {  	s26 =	smov.u32 s30;
	s25 =	sshra.s32 s29, $0x2;
	[sflag:s14] =	ssyncset.done $0x0  }
0x8c: {  	s26 =	sadd.s32 $0x80, s25;
	[sflag:s14] =	ssyncadd.s32 $0xFFFFC000  }
0x8d: {  	[tilespmem:s18], [sflag:$0x2] =	stream.indirect.gather [hbm4b:s1+s16], $0x80, s26, s16, $0xb8;
	[tilespmem:$0x1E400] =	vst v63  }
0x8e: {  	_ =	swait.ge [sflag:s19], $0x4000  }
0x8f: {  	[sflag:s19] =	ssyncset.done $0x0  }
0x90: {  	s29 =	sadd.s32 $0x1400, s25;
	[sflag:s19] =	ssyncadd.s32 $0xFFFFC000  }
0x91: {  	[spmem:s2] =	stream.indirect.scatter.add.f32 [tilespmem:s17], [sflag:$0x3], $0x80, s29, s16, $0xb8;
	[tilespmem:$0x1E400] =	vst v63  }
0x92: {  	_ =	swait.ge [sflag:s14], $0x4000  }
0x93: {  	[sflag:s14] =	ssyncset.done $0x0  }
0x94: {  	s30 =	sadd.s32 $0x100, s25;
	[sflag:s14] =	ssyncadd.s32 $0xFFFFC000  }
0x95: {  	[tilespmem:s17], [sflag:$0x1] =	stream.indirect.gather [hbm4b:s1+s16], $0x80, s30, s16, $0xb8;
	[tilespmem:$0x1E400] =	vst v63  }
0x96: {  	_ =	swait.ge [sflag:s20], $0x4000  }
0x97: {  	[sflag:s20] =	ssyncset.done $0x0  }
0x98: {  	s31 =	sadd.s32 $0x1480, s25;
	[sflag:s20] =	ssyncadd.s32 $0xFFFFC000  }
0x99: {  	[spmem:s2] =	stream.indirect.scatter.add.f32 [tilespmem:s18], [sflag:$0x3], $0x80, s31, s16, $0xb8;
	[tilespmem:$0x1E400] =	vst v63  }
0x9a: {  	_ =	swait.ge [sflag:s14], $0x4000  }
0x9b: {  	[sflag:s14] =	ssyncset.done $0x0  }
0x9c: {  	[sflag:s14] =	ssyncadd.s32 $0xFFFFC000  }
0x9d: {  	[tilespmem:s18], [sflag:$0x2] =	stream.indirect.gather [hbm4b:s1+s16], $0x80, s21, s16, $0xb8;
	[tilespmem:$0x1E400] =	vst v63  }
0x9e: {  	_ =	swait.ge [sflag:s19], $0x4000  }
0x9f: {  	[sflag:s19] =	ssyncset.done $0x0  }
0xa0: {  	[sflag:s19] =	ssyncadd.s32 $0xFFFFC000  }
0xa1: {  	[spmem:s2] =	stream.indirect.scatter.add.f32 [tilespmem:s17], [sflag:$0x3], $0x80, s22, s16, $0xb8;
	[tilespmem:$0x1E400] =	vst v63  }
0xa2: {  	_ =	swait.ge [sflag:s14], $0x4000  }
0xa3: {  	[sflag:s14] =	ssyncset.done $0x0  }
0xa4: {  	[sflag:s14] =	ssyncadd.s32 $0xFFFFC000  }
0xa5: {  	_ =	swait.ge [sflag:s20], $0x4000  }
0xa6: {  	[sflag:s20] =	ssyncset.done $0x0  }
0xa7: {  	[sflag:s20] =	ssyncadd.s32 $0xFFFFC000  }
0xa8: {  	[spmem:s2] =	stream.indirect.scatter.add.f32 [tilespmem:s18], [sflag:$0x3], $0x80, s23, s16, $0xb8;
	[tilespmem:$0x1E400] =	vst v63  }
0xa9: {  	_ =	swait.ge [sflag:s14], $0x4000  }
0xaa: {  	s24 =	sadd.s32 $0x1, s24;
	[sflag:s14] =	ssyncset.done $0x0  }
0xab: {  	p0 =	sne.s32 s24, s12;
	[sflag:s14] =	ssyncadd.s32 $0xFFFFC000  }
.Ltmp2:
0xac: {  	[bflag:$0x0] =	sbarrier.arrive $0xFFFF;
	(pc) =	sbr.rel @p0 .LBB2_1-.Ltmp2, $4  }
0xad: {  	[hbm:s11], [sflag:s6] =	dma.local [spmem:s13], $0x2780  }
0xae: {  	_ =	swait.ge [sflag:s14], $0x2780  }
0xaf: {  	[sflag:s14] =	ssyncset.done $0x0  }
0xb0: {  	[sflag:s14] =	ssyncadd.s32 $0xFFFFD880  }
0xb1: {  	_ =	sfence.sel $0x180000  }
0xb2: {  	[bflag:$0x0] =	sbarrier.arrive $0xFFFF  }
0xb3: {  	p0 =	sne.s32 s3, $0x0;
	_ =	strace $0x9000004A  }
0xb4: {  	s0 =	sadd.s32 @!p0 $0x100000, s0;
	[bflag:$0x2] =	sbarrier.arrive $0xFFFF  }
0xb5: {  	[sflag:s0] =	ssyncadd.tile.s32 @!p0 $0x1;
	_ =	shalt  }
.Lfunc_end2:
_tile_overlayer_lowered:
.L_overlay_start_2:
0xb6: {  	(tag) =	ssettag $0x2  }
0xb7: {  	s0 =	rddreg [dreg:$0x0];
	s2 =	stileid.u32  }
0xb8: {  	s1 =	rddreg [dreg:$0x1];
	p0 =	sne.s32 s2, $0x0  }
0xb9: {  	s3 =	rddreg [dreg:$0x2];
	[bflag:$0x3] =	sbarrier.arrive $0xFFFF;
	s2 =	simm.s32 @!p0 $0x1C03  }
0xba: {  	[timem:s3], [sflag:s2] =	dma.local @!p0 [hbm:s0], s1  }
0xbb: {  	s0 =	simm.s32 @!p0 $0x3  }
0xbc: {  	_ =	swait.ge @!p0 [sflag:s0], s1  }
0xbd: {  	s1 =	ssub.s32 @!p0 $0x0, s1;
	[sflag:s0] =	ssyncset.done @!p0 $0x0  }
0xbe: {  	[sflag:s0] =	ssyncadd.s32 @!p0 s1  }
0xbf: {  	[bflag:$0x3] =	sbarrier.arrive $0xFFFF  }
0xc0: {  	_ =	shalt  }

// kernel: kernel.14.cloned.1.call-start
scs
__scs_entry_jumppad:
0x0: {  	(pc) =	sbr.rel $0x88, $3  }
0x1: {  	(tag) =	ssettag $0x0;
	lr =	simm.s32 $0x1  }
0x2: {  	[smem:$0x3F9B] =	sst lr;
	_ =	strace $0xD0000000  }
0x3: {  	_ = 	snop  }
0x4: {  	_ = 	snop  }
0x5: {  	_ = 	snop  }
0x6: {  	_ = 	snop  }
0x7: {  	_ = 	snop  }
__scs_overlays_trampoline_lowered:
0x8: {  	[smem:$0x3FAA] =	sst s0  }
0x9: {  	[smem:$0x3FAB] =	sst s1  }
0xa: {  	[smem:$0x3FAC] =	sst s2  }
0xb: {  	[smem:$0x3FAD] =	sst s3  }
0xc: {  	[smem:$0x3FAE] =	sst s4  }
0xd: {  	[smem:$0x3FAF] =	sst s5  }
0xe: {  	[smem:$0x3FB0] =	sst s6  }
0xf: {  	[smem:$0x3FB1] =	sst s7  }
0x10: {  	[smem:$0x3FB2] =	sst s8  }
0x11: {  	[smem:$0x3FB3] =	sst s9;
	s0 =	simm.s32 @!p0 $0x0  }
0x12: {  	s1 =	sld [smem:$0x3F99];
	s0 =	simm.s32 @p0 $0x1  }
0x13: {  	[smem:$0x3FB4] =	sst s0;
	s0 =	simm.s32 @!p1 $0x0  }
0x14: {  	s2 =	sld [smem:$0x3F98];
	s0 =	simm.s32 @p1 $0x1  }
0x15: {  	[smem:$0x3FB5] =	sst s0;
	s0 =	simm.s32 @!p2 $0x0  }
0x16: {  	s3 =	sld [smem:$0x3FDB];
	s0 =	simm.s32 @p2 $0x1  }
0x17: {  	s4 =	simm.s32 $0x1BF5;
	[smem:$0x3FB7] =	sst s0  }
0x18: {  	s0 =	sld [smem:$0x3F9A];
	_ =	swait.ge [sflag:s4], $0x0  }
0x19: {  	s7 =	sld [smem:$0x3F9B]  }
0x1a: {  	s8 =	sadd.s32 $0xFFFFE003, lr  }
0x1b: {  	s9 =	sadd.s32 $0xFFFFFEF7, lr;
	s5 =	simm.s32 $0xFFFFFFFF;
	p2 =	slt.u32 s8, $0xFFFFF086  }
0x1c: {  	p1 =	slt.u32 s9, $0xF7A;
	s5 =	simm.s32 @!p2 $0x0  }
0x1d: {  	s5 =	simm.s32 @p1 $0x1;
	p0 =	seq.s32 s7, s2  }
0x1e: {  	s7 =	smul.u32 @!p0 $0xF7A, s2;
	p2 =	seq.s32 @!p0 s5, $0x0  }
0x1f: {  	s9 =	smul.u32 $0xF7A, s1;
	s8 =	simm.s32 @!p0 $0x1BF5;
	p2 =	por !p2, p0  }
0x20: {  	[sflag:s8] =	ssyncset.s32 @!p0 $0xFFFFF086;
	s6 =	sadd.s32 @!p0 s3, s7;
	s7 =	simm.s32 @!p0 $0x108  }
0x21: {  	s3 =	sadd.s32 s3, s9;
	s6 =	sadd.s32 @!p0 $0x88, s6;
	s7 =	simm.s32 @p2 $0x1082  }
0x22: {  	[simem:s7], [sflag:s8] =	dma.local @!p0 [hbm:s6], $0xF7A  }
0x23: {  	s9 =	sor.u32 $0xD0000000, s2;
	s6 =	simm.s32 $0x108;
	_ =	swait.ge @!p0 [sflag:s8], $0x0  }
0x24: {  	s3 =	sadd.s32 $0x88, s3;
	s6 =	simm.s32 @!p1 $0x1082;
	[sflag:s4] =	ssyncset.s32 $0xFFFFF086  }
0x25: {  	[simem:s6], [sflag:s4] =	dma.local [hbm:s3], $0xF7A  }
0x26: {  	[smem:$0x3F9B] =	sst s1;
	(tag) =	ssettag s2;
	_ =	strace s9  }
0x27: {  	s1 =	sld [smem:$0x3FAB]  }
0x28: {  	s2 =	sld [smem:$0x3FAC]  }
0x29: {  	s4 =	sld [smem:$0x3FAE]  }
0x2a: {  	p0 =	seq.s32 s5, $0x0;
	s5 =	sld [smem:$0x3FAF]  }
0x2b: {  	s6 =	sld [smem:$0x3FB0]  }
0x2c: {  	s7 =	sld [smem:$0x3FB1]  }
0x2d: {  	s3 =	simm.s32 $0x108;
	s8 =	sld [smem:$0x3FB2]  }
0x2e: {  	s3 =	simm.s32 @!p0 $0x1082;
	s9 =	sld [smem:$0x3FB3]  }
0x2f: {  	lr =	sadd.s32 s0, s3;
	s0 =	sld [smem:$0x3FAA]  }
0x30: {  	s3 =	sld [smem:$0x3FAD]  }
0x31: {  	[smem:$0x3FB6] =	sst s10  }
0x32: {  	s10 =	sld [smem:$0x3FB4];
	_ =	sdelay $0x3  }
0x33: {  	p0 =	seq.s32 s10, $0x1;
	s10 =	sld [smem:$0x3FB6];
	_ =	sdelay $0x3  }
0x34: {  	[smem:$0x3FB6] =	sst s10  }
0x35: {  	s10 =	sld [smem:$0x3FB5];
	_ =	sdelay $0x3  }
0x36: {  	p1 =	seq.s32 s10, $0x1;
	s10 =	sld [smem:$0x3FB6];
	_ =	sdelay $0x3  }
0x37: {  	[smem:$0x3FB6] =	sst s10  }
0x38: {  	s10 =	sld [smem:$0x3FB7]  }
0x39: {  	_ = 	snop;
	(pc) =	sbr.ind lr, $3  }
0x3a: {  	_ = 	snop  }
0x3b: {  	_ = 	snop  }
0x3c: {  	p2 =	seq.s32 s10, $0x1;
	s10 =	sld [smem:$0x3FB6]  }
0x3d: {  	_ =	shalt  }
0x3e: {  	_ =	shalt  }
0x3f: {  	_ =	shalt  }
0x40: {  	_ =	shalt  }
0x41: {  	_ =	shalt  }
0x42: {  	_ =	shalt  }
0x43: {  	_ =	shalt  }
0x44: {  	_ =	shalt  }
0x45: {  	_ =	shalt  }
0x46: {  	_ =	shalt  }
0x47: {  	_ =	shalt  }
0x48: {  	_ =	shalt  }
0x49: {  	_ =	shalt  }
0x4a: {  	_ =	shalt  }
0x4b: {  	_ =	shalt  }
0x4c: {  	_ =	shalt  }
0x4d: {  	_ =	shalt  }
0x4e: {  	_ =	shalt  }
0x4f: {  	_ =	shalt  }
0x50: {  	_ =	shalt  }
0x51: {  	_ =	shalt  }
0x52: {  	_ =	shalt  }
0x53: {  	_ =	shalt  }
0x54: {  	_ =	shalt  }
0x55: {  	_ =	shalt  }
0x56: {  	_ =	shalt  }
0x57: {  	_ =	shalt  }
0x58: {  	_ =	shalt  }
0x59: {  	_ =	shalt  }
0x5a: {  	_ =	shalt  }
0x5b: {  	_ =	shalt  }
0x5c: {  	_ =	shalt  }
0x5d: {  	_ =	shalt  }
0x5e: {  	_ =	shalt  }
0x5f: {  	_ =	shalt  }
0x60: {  	_ =	shalt  }
0x61: {  	_ =	shalt  }
0x62: {  	_ =	shalt  }
0x63: {  	_ =	shalt  }
0x64: {  	_ =	shalt  }
0x65: {  	_ =	shalt  }
0x66: {  	_ =	shalt  }
0x67: {  	_ =	shalt  }
0x68: {  	_ =	shalt  }
0x69: {  	_ =	shalt  }
0x6a: {  	_ =	shalt  }
0x6b: {  	_ =	shalt  }
0x6c: {  	_ =	shalt  }
0x6d: {  	_ =	shalt  }
0x6e: {  	_ =	shalt  }
0x6f: {  	_ =	shalt  }
0x70: {  	_ =	shalt  }
0x71: {  	_ =	shalt  }
0x72: {  	_ =	shalt  }
0x73: {  	_ =	shalt  }
0x74: {  	_ =	shalt  }
0x75: {  	_ =	shalt  }
0x76: {  	_ =	shalt  }
0x77: {  	_ =	shalt  }
0x78: {  	_ =	shalt  }
0x79: {  	_ =	shalt  }
0x7a: {  	_ =	shalt  }
0x7b: {  	_ =	shalt  }
0x7c: {  	_ =	shalt  }
0x7d: {  	_ =	shalt  }
0x7e: {  	_ =	shalt  }
0x7f: {  	_ =	shalt  }
0x80: {  	_ =	shalt  }
0x81: {  	_ =	shalt  }
0x82: {  	_ =	shalt  }
0x83: {  	_ =	shalt  }
0x84: {  	_ =	shalt  }
0x85: {  	_ =	shalt  }
0x86: {  	_ =	shalt  }
0x87: {  	_ =	shalt  }
.Lfunc_end0:
.L_simem_size_0:
called_computation.2_lowered:
.L_overlay_start_0:
0x88: {  	s2 =	sld [smem:$0x3FD9]  }
0x89: {  	s3 =	sld [smem:$0x3FFE];
	_ =	sdelay $0x1  }
0x8a: {  	s1 =	srdreg.scid  }
0x8b: {  	s0 =	sand.u32 $0x1, s1  }
0x8c: {  	s17 =	sshll.u32 s0, $0xA;
	s2 =	sadd.s32 s3, s2  }
0x8d: {  	s2 =	sadd.s32 s2, s17  }
0x8e: {  	[smem:$0x3FC2] =	sst s2  }
0x8f: {  	_ = 	snop  }
0x90: {  	s2 =	sld [smem:$0x3FD0];
	(tm) =	ssettm $0x1  }
0x91: {  	s18 =	sld [smem:$0x3FFB];
	_ =	sdelay $0x3  }
0x92: {  	_ =	strace s18  }
0x93: {  	s3 =	sld [smem:$0x3FFC];
	_ =	sdelay $0x3  }
0x94: {  	_ =	strace s3  }
0x95: {  	s3 =	sld [smem:$0x3FFD];
	_ =	sdelay $0x3  }
0x96: {  	_ =	strace s3  }
0x97: {  	_ =	strace $0x8FFFFFFF  }
0x98: {  	s19 =	sld [smem:$0x3FDB];
	_ =	sdelay $0x1  }
0x99: {  	s4 =	simm.s32 $_scs_section_size  }
0x9a: {  	s5 =	simm.s32 $_size__tile_overlayer_lowered;
	s6 =	simm.s32 $_tile_overlayer_lowered  }
0x9b: {  	s22 =	simm.s32 $0x1BFF;
	s21 =	sshll.u32 s6, $0x1;
	s3 =	sadd.s32 s4, s19  }
0x9c: {  	s7 =	simm.s32 $0x0;
	s20 =	sshll.u32 s5, $0x1;
	s5 =	sadd.s32 s21, s3  }
0x9d: {  	[timem:s7], [sflag:s22] =	dma.local [hbm:s5], s20  }
0x9e: {  	_ =	swait.ge [sflag:s22], s20  }
0x9f: {  	s4 =	ssub.s32 $0x0, s20;
	[sflag:s22] =	ssyncset.done $0x0  }
0xa0: {  	[sflag:s22] =	ssyncadd.s32 s4;
	_ =	sdelay $0x1  }
0xa1: {  	s23 =	simm.s32 $0x1B8B  }
0xa2: {  	_ =	swait.ge [sflag:s23], $0x1  }
0xa3: {  	[sflag:s23] =	ssyncset.done $0x0  }
0xa4: {  	s25 =	simm.s32 $0x1B8E;
	s24 =	sld [smem:$0x3FFE];
	[sflag:s23] =	ssyncadd.s32 $0xFFFFFFFF  }
0xa5: {  	s26 =	simm.s32 $execute0_lowered;
	[smem:$0x3FD2] =	sst s25  }
0xa6: {  	s5 =	sshll.u32 s26, $0x1;
	_ =	strace $0x8000004C;
	[dreg:$0x1] =	wrdreg $0xFFFFFFFF  }
0xa7: {  	s28 =	simm.s32 $_size_execute0_lowered;
	s3 =	sadd.s32 s3, s5;
	[dreg:$0x0] =	wrdreg $0x0  }
0xa8: {  	s5 =	sshll.u32 s28, $0x1;
	[dreg:$0x2] =	wrdreg s3  }
0xa9: {  	[dreg:$0x3] =	wrdreg s5  }
0xaa: {  	[dreg:$0x4] =	wrdreg $0xC0  }
0xab: {  	_ =	task [dreg:s7], $0x5FFFF  }
0xac: {  	[dreg:$0x1] =	wrdreg $0xFFFFFFFF  }
0xad: {  	[dreg:$0x0] =	wrdreg $0x60  }
0xae: {  	[dreg:$0x2] =	wrdreg s2  }
0xaf: {  	[dreg:$0x3] =	wrdreg s24  }
0xb0: {  	[dreg:$0x4] =	wrdreg $0xA8000  }
0xb1: {  	[dreg:$0x5] =	wrdreg $0x9  }
0xb2: {  	_ =	task.clear_ibuf [dreg:s7], $0x6FFFF;
	_ =	strace $0x9000004C  }
0xb3: {  	s29 =	simm.s32 $0x9;
	_ =	strace $0x8000004E  }
0xb4: {  	_ =	swait.ge [sflag:s29], $0x1  }
0xb5: {  	[sflag:s29] =	ssyncadd.s32 $0xFFFFFFFF  }
0xb6: {  	_ =	strace $0x9000004E  }
0xb7: {  	_ =	sfence  }
0xb8: {  	s30 =	sld [smem:$0x0];
	_ =	sdelay $0x2  }
0xb9: {  	s31 =	sshll.u32 s1, $0xD;
	s1 =	sshrl.u32 s1, $0x2  }
0xba: {  	s3 =	sand.u32 $0x4000, s31;
	s1 =	sadd.s32 s1, s30  }
0xbb: {  	s0 =	sor.u32 s3, s0;
	s1 =	sshll.u32 s1, $0x11  }
0xbc: {  	s0 =	sor.u32 s1, s0  }
0xbd: {  	s0 =	sadd.s32 $0x8F2B, s0  }
0xbe: {  	[sflag:s0] =	ssyncadd.remote.s32 $0x1  }
0xbf: {  	_ =	sfence.sel $0xFFFF  }
0xc0: {  	[dreg:$0x0] =	wrdreg $0xFFFFFFFF;
	(pc) =	sbr.abs _section_cstart, $3  }
0xc1: {  	[dreg:$0x1] =	wrdreg $0xFFFFFFFF  }
0xc2: {  	_ =	task.clear_ibuf [dreg:s7], $0x2FFFF;
	_ =	strace $0x9FFFFFFF  }
0xc3: {  	(tm) =	ssettm $0x7FFFFFFF  }
tec
execute0_lowered:
.L_overlay_start_1:
0x0: {  	(tag) =	ssettag $0x1  }
0x1: {  	s1 =	rddreg [dreg:$0x0]  }
0x2: {  	s6 =	rddreg [dreg:$0x1]  }
0x3: {  	s2 =	rddreg [dreg:$0x2];
	s3 =	srdreg.scid  }
0x4: {  	s0 =	rddreg [dreg:$0x3];
	s4 =	simm.s32 $0x0;
	s15 =	simm.s32 $0x1400  }
0x5: {  	s16 =	simm.s32 $0x80;
	s17 =	simm.s32 $0x2800;
	s18 =	simm.s32 $0x6800  }
0x6: {  	s19 =	simm.s32 $0x1;
	s20 =	simm.s32 $0x2;
	s21 =	simm.s32 $0x1380  }
0x7: {  	s22 =	simm.s32 $0x2700;
	s5 =	sand.u32 $0x1, s3;
	s3 =	stileid.u32  }
0x8: {  	[smem:$0x7FF] =	sst s4;
	s9 =	sadd.s32 $0x5E200, s6;
	s7 =	smul.u32 $0x13C000, s5  }
0x9: {  	s10 =	sadd.s32 $0x2A00, s6;
	s8 =	smul.u32 $0x13C00, s3;
	_ =	strace $0x8000004D  }
0xa: {  	s23 =	sshll.u32 s5, $0x4;
	s11 =	ssub.s32 $0x2, s5;
	s25 =	smul.u32 $0x4F000, s3  }
0xb: {  	s5 =	sadd.s32 $0xCA00, s6;
	s28 =	sshll.u32 s3, $0x6;
	s24 =	sor.u32 s3, s23  }
0xc: {  	s12 =	sshrl.u32 s11, $0x1;
	s23 =	simm.s32 $0x2780;
	s7 =	sadd.s32 s8, s7  }
0xd: {  	s13 =	smul.u32 $0x2800, s24;
	s12 =	ssub.s32 s11, s12;
	s26 =	sshrl.u32 s25, $0x2  }
0xe: {  	s24 =	simm.s32 $0x0;
	s7 =	sshrl.u32 s7, $0x3;
	s30 =	sadd.s32 s26, s2  }
0xf: {  	s12 =	smax.u32 s12, $0x1;
	s14 =	sadd.s32 s7, s6;
	s29 =	sshrl.u32 s13, $0x3  }
0x10: {  	s6 =	sor.u32 $0x1C03, s28;
	s13 =	sshrl.u32 s30, $0x3;
	s31 =	sadd.s32 $0x280, s29  }
0x11: {  	s7 =	sadd.s32 s9, s29;
	s8 =	sadd.s32 s10, s29;
	s11 =	sadd.s32 $0x68200, s14  }
0x12: {  	s14 =	simm.s32 $0x3;
	s9 =	sadd.s32 s9, s31;
	s10 =	sadd.s32 s10, s31  }
.LBB2_1:
0x13: {  	[spmem:s13], [sflag:s6] =	dma.local [hbm:s5], $0x2780  }
0x14: {  	_ =	swait.ge [sflag:s14], $0x2780  }
0x15: {  	[sflag:s14] =	ssyncset.done $0x0  }
0x16: {  	[sflag:s14] =	ssyncadd.s32 $0xFFFFD880  }
0x17: {  	[bflag:$0x0] =	sbarrier.arrive $0xFFFF  }
0x18: {  	[tilespmem:s4], [sflag:$0x3] =	stream.linear.gather [hbm4b:s7+s4], $0x1400, $0x38;
	[tilespmem:$0x1E400] =	vst v63  }
0x19: {  	_ =	swait.ge [sflag:s14], $0x1400  }
0x1a: {  	[sflag:s14] =	ssyncset.done $0x0  }
0x1b: {  	[sflag:s14] =	ssyncadd.s32 $0xFFFFEC00  }
0x1c: {  	[tilespmem:s15], [sflag:$0x3] =	stream.linear.gather [hbm4b:s8+s4], $0x1400, $0x38;
	[tilespmem:$0x1E400] =	vst v63  }
0x1d: {  	_ =	swait.ge [sflag:s14], $0x1400  }
0x1e: {  	[sflag:s14] =	ssyncset.done $0x0  }
0x1f: {  	[sflag:s14] =	ssyncadd.s32 $0xFFFFEC00  }
0x20: {  	[tilespmem:s17], [sflag:$0x1] =	stream.indirect.gather [hbm4b:s1+s16], $0x80, s4, s16, $0xb8;
	[tilespmem:$0x1E400] =	vst v63  }
0x21: {  	s25 =	simm.s32 $0x80  }
0x22: {  	[tilespmem:s18], [sflag:$0x2] =	stream.indirect.gather [hbm4b:s1+s16], $0x80, s25, s16, $0xb8;
	[tilespmem:$0x1E400] =	vst v63  }
0x23: {  	_ =	swait.ge [sflag:s19], $0x4000  }
0x24: {  	[sflag:s19] =	ssyncset.done $0x0  }
0x25: {  	s29 =	simm.s32 $0x1400;
	[sflag:s19] =	ssyncadd.s32 $0xFFFFC000  }
0x26: {  	[spmem:s2] =	stream.indirect.scatter.add.f32 [tilespmem:s17], [sflag:$0x3], $0x80, s29, s16, $0xb8;
	[tilespmem:$0x1E400] =	vst v63  }
0x27: {  	_ =	swait.ge [sflag:s14], $0x4000  }
0x28: {  	[sflag:s14] =	ssyncset.done $0x0  }
0x29: {  	s30 =	simm.s32 $0x100;
	[sflag:s14] =	ssyncadd.s32 $0xFFFFC000  }
0x2a: {  	[tilespmem:s17], [sflag:$0x1] =	stream.indirect.gather [hbm4b:s1+s16], $0x80, s30, s16, $0xb8;
	[tilespmem:$0x1E400] =	vst v63  }
0x2b: {  	_ =	swait.ge [sflag:s20], $0x4000  }
0x2c: {  	[sflag:s20] =	ssyncset.done $0x0  }
0x2d: {  	s31 =	simm.s32 $0x1480;
	[sflag:s20] =	ssyncadd.s32 $0xFFFFC000  }
0x2e: {  	[spmem:s2] =	stream.indirect.scatter.add.f32 [tilespmem:s18], [sflag:$0x3], $0x80, s31, s16, $0xb8;
	[tilespmem:$0x1E400] =	vst v63  }
0x2f: {  	_ =	swait.ge [sflag:s14], $0x4000  }
0x30: {  	s26 =	simm.s32 $0x800;
	s25 =	simm.s32 $0x100;
	[sflag:s14] =	ssyncset.done $0x0  }
.LBB2_2:
0x31: {  	s28 =	sadd.s32 $0x80, s25  }
0x32: {  	[sflag:s14] =	ssyncadd.s32 $0xFFFFC000;
	s29 =	smov.u32 s26;
	s30 =	sadd.s32 $0x400, s26  }
0x33: {  	[tilespmem:s18], [sflag:$0x2] =	stream.indirect.gather [hbm4b:s1+s16], $0x80, s28, s16, $0xb8;
	[tilespmem:$0x1E400] =	vst v63  }
0x34: {  	p0 =	sne.s32 s26, $0x4800;
	_ =	swait.ge [sflag:s19], $0x4000  }
0x35: {  	[sflag:s19] =	ssyncset.done $0x0  }
0x36: {  	s26 =	sadd.s32 $0x1400, s25;
	[sflag:s19] =	ssyncadd.s32 $0xFFFFC000  }
0x37: {  	[spmem:s2] =	stream.indirect.scatter.add.f32 [tilespmem:s17], [sflag:$0x3], $0x80, s26, s16, $0xb8;
	[tilespmem:$0x1E400] =	vst v63  }
0x38: {  	_ =	swait.ge [sflag:s14], $0x4000  }
0x39: {  	[sflag:s14] =	ssyncset.done $0x0  }
0x3a: {  	s26 =	sadd.s32 $0x100, s25;
	[sflag:s14] =	ssyncadd.s32 $0xFFFFC000  }
0x3b: {  	[tilespmem:s17], [sflag:$0x1] =	stream.indirect.gather [hbm4b:s1+s16], $0x80, s26, s16, $0xb8;
	[tilespmem:$0x1E400] =	vst v63  }
0x3c: {  	_ =	swait.ge [sflag:s20], $0x4000  }
.Ltmp0:
0x3d: {  	[sflag:s20] =	ssyncset.done $0x0;
	(pc) =	sbr.rel @p0 .LBB2_2-.Ltmp0, $4  }
0x3e: {  	s25 =	sadd.s32 $0x1480, s25;
	[sflag:s20] =	ssyncadd.s32 $0xFFFFC000  }
0x3f: {  	[spmem:s2] =	stream.indirect.scatter.add.f32 [tilespmem:s18], [sflag:$0x3], $0x80, s25, s16, $0xb8;
	[tilespmem:$0x1E400] =	vst v63  }
0x40: {  	_ =	swait.ge [sflag:s14], $0x4000  }
0x41: {  	s26 =	smov.u32 s30;
	s25 =	sshra.s32 s29, $0x2;
	[sflag:s14] =	ssyncset.done $0x0  }
0x42: {  	s26 =	sadd.s32 $0x80, s25;
	[sflag:s14] =	ssyncadd.s32 $0xFFFFC000  }
0x43: {  	[tilespmem:s18], [sflag:$0x2] =	stream.indirect.gather [hbm4b:s1+s16], $0x80, s26, s16, $0xb8;
	[tilespmem:$0x1E400] =	vst v63  }
0x44: {  	_ =	swait.ge [sflag:s19], $0x4000  }
0x45: {  	[sflag:s19] =	ssyncset.done $0x0  }
0x46: {  	s29 =	sadd.s32 $0x1400, s25;
	[sflag:s19] =	ssyncadd.s32 $0xFFFFC000  }
0x47: {  	[spmem:s2] =	stream.indirect.scatter.add.f32 [tilespmem:s17], [sflag:$0x3], $0x80, s29, s16, $0xb8;
	[tilespmem:$0x1E400] =	vst v63  }
0x48: {  	_ =	swait.ge [sflag:s14], $0x4000  }
0x49: {  	[sflag:s14] =	ssyncset.done $0x0  }
0x4a: {  	s30 =	sadd.s32 $0x100, s25;
	[sflag:s14] =	ssyncadd.s32 $0xFFFFC000  }
0x4b: {  	[tilespmem:s17], [sflag:$0x1] =	stream.indirect.gather [hbm4b:s1+s16], $0x80, s30, s16, $0xb8;
	[tilespmem:$0x1E400] =	vst v63  }
0x4c: {  	_ =	swait.ge [sflag:s20], $0x4000  }
0x4d: {  	[sflag:s20] =	ssyncset.done $0x0  }
0x4e: {  	s31 =	sadd.s32 $0x1480, s25;
	[sflag:s20] =	ssyncadd.s32 $0xFFFFC000  }
0x4f: {  	[spmem:s2] =	stream.indirect.scatter.add.f32 [tilespmem:s18], [sflag:$0x3], $0x80, s31, s16, $0xb8;
	[tilespmem:$0x1E400] =	vst v63  }
0x50: {  	_ =	swait.ge [sflag:s14], $0x4000  }
0x51: {  	[sflag:s14] =	ssyncset.done $0x0  }
0x52: {  	[sflag:s14] =	ssyncadd.s32 $0xFFFFC000  }
0x53: {  	[tilespmem:s18], [sflag:$0x2] =	stream.indirect.gather [hbm4b:s1+s16], $0x80, s21, s16, $0xb8;
	[tilespmem:$0x1E400] =	vst v63  }
0x54: {  	_ =	swait.ge [sflag:s19], $0x4000  }
0x55: {  	[sflag:s19] =	ssyncset.done $0x0  }
0x56: {  	[sflag:s19] =	ssyncadd.s32 $0xFFFFC000  }
0x57: {  	[spmem:s2] =	stream.indirect.scatter.add.f32 [tilespmem:s17], [sflag:$0x3], $0x80, s22, s16, $0xb8;
	[tilespmem:$0x1E400] =	vst v63  }
0x58: {  	_ =	swait.ge [sflag:s14], $0x4000  }
0x59: {  	[sflag:s14] =	ssyncset.done $0x0  }
0x5a: {  	[sflag:s14] =	ssyncadd.s32 $0xFFFFC000  }
0x5b: {  	_ =	swait.ge [sflag:s20], $0x4000  }
0x5c: {  	[sflag:s20] =	ssyncset.done $0x0  }
0x5d: {  	[sflag:s20] =	ssyncadd.s32 $0xFFFFC000  }
0x5e: {  	[spmem:s2] =	stream.indirect.scatter.add.f32 [tilespmem:s18], [sflag:$0x3], $0x80, s23, s16, $0xb8;
	[tilespmem:$0x1E400] =	vst v63  }
0x5f: {  	_ =	swait.ge [sflag:s14], $0x4000  }
0x60: {  	[sflag:s14] =	ssyncset.done $0x0  }
0x61: {  	s26 =	simm.s32 $0x0;
	[sflag:s14] =	ssyncadd.s32 $0xFFFFC000  }
0x62: {  	[tilespmem:s26], [sflag:$0x3] =	stream.linear.gather [hbm4b:s9+s26], $0x1400, $0x38;
	[tilespmem:$0x1E400] =	vst v63  }
0x63: {  	_ =	swait.ge [sflag:s14], $0x1400  }
0x64: {  	[sflag:s14] =	ssyncset.done $0x0  }
0x65: {  	[sflag:s14] =	ssyncadd.s32 $0xFFFFEC00  }
0x66: {  	[tilespmem:s15], [sflag:$0x3] =	stream.linear.gather [hbm4b:s10+s26], $0x1400, $0x38;
	[tilespmem:$0x1E400] =	vst v63  }
0x67: {  	_ =	swait.ge [sflag:s14], $0x1400  }
0x68: {  	[sflag:s14] =	ssyncset.done $0x0  }
0x69: {  	[sflag:s14] =	ssyncadd.s32 $0xFFFFEC00  }
0x6a: {  	[tilespmem:s17], [sflag:$0x1] =	stream.indirect.gather [hbm4b:s1+s16], $0x80, s26, s16, $0xb8;
	[tilespmem:$0x1E400] =	vst v63  }
0x6b: {  	s28 =	simm.s32 $0x80  }
0x6c: {  	[tilespmem:s18], [sflag:$0x2] =	stream.indirect.gather [hbm4b:s1+s16], $0x80, s28, s16, $0xb8;
	[tilespmem:$0x1E400] =	vst v63  }
0x6d: {  	_ =	swait.ge [sflag:s19], $0x4000  }
0x6e: {  	[sflag:s19] =	ssyncset.done $0x0  }
0x6f: {  	s29 =	simm.s32 $0x1400;
	[sflag:s19] =	ssyncadd.s32 $0xFFFFC000  }
0x70: {  	[spmem:s2] =	stream.indirect.scatter.add.f32 [tilespmem:s17], [sflag:$0x3], $0x80, s29, s16, $0xb8;
	[tilespmem:$0x1E400] =	vst v63  }
0x71: {  	_ =	swait.ge [sflag:s14], $0x4000  }
0x72: {  	[sflag:s14] =	ssyncset.done $0x0  }
0x73: {  	s30 =	simm.s32 $0x100;
	[sflag:s14] =	ssyncadd.s32 $0xFFFFC000  }
0x74: {  	[tilespmem:s17], [sflag:$0x1] =	stream.indirect.gather [hbm4b:s1+s16], $0x80, s30, s16, $0xb8;
	[tilespmem:$0x1E400] =	vst v63  }
0x75: {  	_ =	swait.ge [sflag:s20], $0x4000  }
0x76: {  	[sflag:s20] =	ssyncset.done $0x0  }
0x77: {  	s31 =	simm.s32 $0x1480;
	[sflag:s20] =	ssyncadd.s32 $0xFFFFC000  }
0x78: {  	[spmem:s2] =	stream.indirect.scatter.add.f32 [tilespmem:s18], [sflag:$0x3], $0x80, s31, s16, $0xb8;
	[tilespmem:$0x1E400] =	vst v63  }
0x79: {  	_ =	swait.ge [sflag:s14], $0x4000  }
0x7a: {  	s25 =	simm.s32 $0x100;
	s26 =	simm.s32 $0x800;
	[sflag:s14] =	ssyncset.done $0x0  }
.LBB2_4:
0x7b: {  	s28 =	sadd.s32 $0x80, s25  }
0x7c: {  	[sflag:s14] =	ssyncadd.s32 $0xFFFFC000;
	s29 =	smov.u32 s26;
	s30 =	sadd.s32 $0x400, s26  }
0x7d: {  	[tilespmem:s18], [sflag:$0x2] =	stream.indirect.gather [hbm4b:s1+s16], $0x80, s28, s16, $0xb8;
	[tilespmem:$0x1E400] =	vst v63  }
0x7e: {  	p0 =	sne.s32 s26, $0x4800;
	_ =	swait.ge [sflag:s19], $0x4000  }
0x7f: {  	[sflag:s19] =	ssyncset.done $0x0  }
0x80: {  	s26 =	sadd.s32 $0x1400, s25;
	[sflag:s19] =	ssyncadd.s32 $0xFFFFC000  }
0x81: {  	[spmem:s2] =	stream.indirect.scatter.add.f32 [tilespmem:s17], [sflag:$0x3], $0x80, s26, s16, $0xb8;
	[tilespmem:$0x1E400] =	vst v63  }
0x82: {  	_ =	swait.ge [sflag:s14], $0x4000  }
0x83: {  	[sflag:s14] =	ssyncset.done $0x0  }
0x84: {  	s26 =	sadd.s32 $0x100, s25;
	[sflag:s14] =	ssyncadd.s32 $0xFFFFC000  }
0x85: {  	[tilespmem:s17], [sflag:$0x1] =	stream.indirect.gather [hbm4b:s1+s16], $0x80, s26, s16, $0xb8;
	[tilespmem:$0x1E400] =	vst v63  }
0x86: {  	_ =	swait.ge [sflag:s20], $0x4000  }
.Ltmp1:
0x87: {  	[sflag:s20] =	ssyncset.done $0x0;
	(pc) =	sbr.rel @p0 .LBB2_4-.Ltmp1, $4  }
0x88: {  	s25 =	sadd.s32 $0x1480, s25;
	[sflag:s20] =	ssyncadd.s32 $0xFFFFC000  }
0x89: {  	[spmem:s2] =	stream.indirect.scatter.add.f32 [tilespmem:s18], [sflag:$0x3], $0x80, s25, s16, $0xb8;
	[tilespmem:$0x1E400] =	vst v63  }
0x8a: {  	_ =	swait.ge [sflag:s14], $0x4000  }
0x8b: {  	s26 =	smov.u32 s30;
	s25 =	sshra.s32 s29, $0x2;
	[sflag:s14] =	ssyncset.done $0x0  }
0x8c: {  	s26 =	sadd.s32 $0x80, s25;
	[sflag:s14] =	ssyncadd.s32 $0xFFFFC000  }
0x8d: {  	[tilespmem:s18], [sflag:$0x2] =	stream.indirect.gather [hbm4b:s1+s16], $0x80, s26, s16, $0xb8;
	[tilespmem:$0x1E400] =	vst v63  }
0x8e: {  	_ =	swait.ge [sflag:s19], $0x4000  }
0x8f: {  	[sflag:s19] =	ssyncset.done $0x0  }
0x90: {  	s29 =	sadd.s32 $0x1400, s25;
	[sflag:s19] =	ssyncadd.s32 $0xFFFFC000  }
0x91: {  	[spmem:s2] =	stream.indirect.scatter.add.f32 [tilespmem:s17], [sflag:$0x3], $0x80, s29, s16, $0xb8;
	[tilespmem:$0x1E400] =	vst v63  }
0x92: {  	_ =	swait.ge [sflag:s14], $0x4000  }
0x93: {  	[sflag:s14] =	ssyncset.done $0x0  }
0x94: {  	s30 =	sadd.s32 $0x100, s25;
	[sflag:s14] =	ssyncadd.s32 $0xFFFFC000  }
0x95: {  	[tilespmem:s17], [sflag:$0x1] =	stream.indirect.gather [hbm4b:s1+s16], $0x80, s30, s16, $0xb8;
	[tilespmem:$0x1E400] =	vst v63  }
0x96: {  	_ =	swait.ge [sflag:s20], $0x4000  }
0x97: {  	[sflag:s20] =	ssyncset.done $0x0  }
0x98: {  	s31 =	sadd.s32 $0x1480, s25;
	[sflag:s20] =	ssyncadd.s32 $0xFFFFC000  }
0x99: {  	[spmem:s2] =	stream.indirect.scatter.add.f32 [tilespmem:s18], [sflag:$0x3], $0x80, s31, s16, $0xb8;
	[tilespmem:$0x1E400] =	vst v63  }
0x9a: {  	_ =	swait.ge [sflag:s14], $0x4000  }
0x9b: {  	[sflag:s14] =	ssyncset.done $0x0  }
0x9c: {  	[sflag:s14] =	ssyncadd.s32 $0xFFFFC000  }
0x9d: {  	[tilespmem:s18], [sflag:$0x2] =	stream.indirect.gather [hbm4b:s1+s16], $0x80, s21, s16, $0xb8;
	[tilespmem:$0x1E400] =	vst v63  }
0x9e: {  	_ =	swait.ge [sflag:s19], $0x4000  }
0x9f: {  	[sflag:s19] =	ssyncset.done $0x0  }
0xa0: {  	[sflag:s19] =	ssyncadd.s32 $0xFFFFC000  }
0xa1: {  	[spmem:s2] =	stream.indirect.scatter.add.f32 [tilespmem:s17], [sflag:$0x3], $0x80, s22, s16, $0xb8;
	[tilespmem:$0x1E400] =	vst v63  }
0xa2: {  	_ =	swait.ge [sflag:s14], $0x4000  }
0xa3: {  	[sflag:s14] =	ssyncset.done $0x0  }
0xa4: {  	[sflag:s14] =	ssyncadd.s32 $0xFFFFC000  }
0xa5: {  	_ =	swait.ge [sflag:s20], $0x4000  }
0xa6: {  	[sflag:s20] =	ssyncset.done $0x0  }
0xa7: {  	[sflag:s20] =	ssyncadd.s32 $0xFFFFC000  }
0xa8: {  	[spmem:s2] =	stream.indirect.scatter.add.f32 [tilespmem:s18], [sflag:$0x3], $0x80, s23, s16, $0xb8;
	[tilespmem:$0x1E400] =	vst v63  }
0xa9: {  	_ =	swait.ge [sflag:s14], $0x4000  }
0xaa: {  	s24 =	sadd.s32 $0x1, s24;
	[sflag:s14] =	ssyncset.done $0x0  }
0xab: {  	p0 =	sne.s32 s24, s12;
	[sflag:s14] =	ssyncadd.s32 $0xFFFFC000  }
.Ltmp2:
0xac: {  	[bflag:$0x0] =	sbarrier.arrive $0xFFFF;
	(pc) =	sbr.rel @p0 .LBB2_1-.Ltmp2, $4  }
0xad: {  	[hbm:s11], [sflag:s6] =	dma.local [spmem:s13], $0x2780  }
0xae: {  	_ =	swait.ge [sflag:s14], $0x2780  }
0xaf: {  	[sflag:s14] =	ssyncset.done $0x0  }
0xb0: {  	[sflag:s14] =	ssyncadd.s32 $0xFFFFD880  }
0xb1: {  	_ =	sfence.sel $0x180000  }
0xb2: {  	[bflag:$0x0] =	sbarrier.arrive $0xFFFF  }
0xb3: {  	p0 =	sne.s32 s3, $0x0;
	_ =	strace $0x9000004D  }
0xb4: {  	s0 =	sadd.s32 @!p0 $0x100000, s0;
	[bflag:$0x2] =	sbarrier.arrive $0xFFFF  }
0xb5: {  	[sflag:s0] =	ssyncadd.tile.s32 @!p0 $0x1;
	_ =	shalt  }
.Lfunc_end2:
_tile_overlayer_lowered:
.L_overlay_start_2:
0xb6: {  	(tag) =	ssettag $0x2  }
0xb7: {  	s0 =	rddreg [dreg:$0x0];
	s2 =	stileid.u32  }
0xb8: {  	s1 =	rddreg [dreg:$0x1];
	p0 =	sne.s32 s2, $0x0  }
0xb9: {  	s3 =	rddreg [dreg:$0x2];
	[bflag:$0x3] =	sbarrier.arrive $0xFFFF;
	s2 =	simm.s32 @!p0 $0x1C03  }
0xba: {  	[timem:s3], [sflag:s2] =	dma.local @!p0 [hbm:s0], s1  }
0xbb: {  	s0 =	simm.s32 @!p0 $0x3  }
0xbc: {  	_ =	swait.ge @!p0 [sflag:s0], s1  }
0xbd: {  	s1 =	ssub.s32 @!p0 $0x0, s1;
	[sflag:s0] =	ssyncset.done @!p0 $0x0  }
0xbe: {  	[sflag:s0] =	ssyncadd.s32 @!p0 s1  }
0xbf: {  	[bflag:$0x3] =	sbarrier.arrive $0xFFFF  }
0xc0: {  	_ =	shalt  }

// kernel: kernel.8.cloned.1.call-start
scs
__scs_entry_jumppad:
0x0: {  	(pc) =	sbr.rel $0x88, $3  }
0x1: {  	(tag) =	ssettag $0x0;
	lr =	simm.s32 $0x1  }
0x2: {  	[smem:$0x3F9B] =	sst lr;
	_ =	strace $0xD0000000  }
0x3: {  	_ = 	snop  }
0x4: {  	_ = 	snop  }
0x5: {  	_ = 	snop  }
0x6: {  	_ = 	snop  }
0x7: {  	_ = 	snop  }
__scs_overlays_trampoline_lowered:
0x8: {  	[smem:$0x3FAA] =	sst s0  }
0x9: {  	[smem:$0x3FAB] =	sst s1  }
0xa: {  	[smem:$0x3FAC] =	sst s2  }
0xb: {  	[smem:$0x3FAD] =	sst s3  }
0xc: {  	[smem:$0x3FAE] =	sst s4  }
0xd: {  	[smem:$0x3FAF] =	sst s5  }
0xe: {  	[smem:$0x3FB0] =	sst s6  }
0xf: {  	[smem:$0x3FB1] =	sst s7  }
0x10: {  	[smem:$0x3FB2] =	sst s8  }
0x11: {  	[smem:$0x3FB3] =	sst s9;
	s0 =	simm.s32 @!p0 $0x0  }
0x12: {  	s1 =	sld [smem:$0x3F99];
	s0 =	simm.s32 @p0 $0x1  }
0x13: {  	[smem:$0x3FB4] =	sst s0;
	s0 =	simm.s32 @!p1 $0x0  }
0x14: {  	s2 =	sld [smem:$0x3F98];
	s0 =	simm.s32 @p1 $0x1  }
0x15: {  	[smem:$0x3FB5] =	sst s0;
	s0 =	simm.s32 @!p2 $0x0  }
0x16: {  	s3 =	sld [smem:$0x3FDB];
	s0 =	simm.s32 @p2 $0x1  }
0x17: {  	s4 =	simm.s32 $0x1BF5;
	[smem:$0x3FB7] =	sst s0  }
0x18: {  	s0 =	sld [smem:$0x3F9A];
	_ =	swait.ge [sflag:s4], $0x0  }
0x19: {  	s7 =	sld [smem:$0x3F9B]  }
0x1a: {  	s8 =	sadd.s32 $0xFFFFE003, lr  }
0x1b: {  	s9 =	sadd.s32 $0xFFFFFEF7, lr;
	s5 =	simm.s32 $0xFFFFFFFF;
	p2 =	slt.u32 s8, $0xFFFFF086  }
0x1c: {  	p1 =	slt.u32 s9, $0xF7A;
	s5 =	simm.s32 @!p2 $0x0  }
0x1d: {  	s5 =	simm.s32 @p1 $0x1;
	p0 =	seq.s32 s7, s2  }
0x1e: {  	s7 =	smul.u32 @!p0 $0xF7A, s2;
	p2 =	seq.s32 @!p0 s5, $0x0  }
0x1f: {  	s9 =	smul.u32 $0xF7A, s1;
	s8 =	simm.s32 @!p0 $0x1BF5;
	p2 =	por !p2, p0  }
0x20: {  	[sflag:s8] =	ssyncset.s32 @!p0 $0xFFFFF086;
	s6 =	sadd.s32 @!p0 s3, s7;
	s7 =	simm.s32 @!p0 $0x108  }
0x21: {  	s3 =	sadd.s32 s3, s9;
	s6 =	sadd.s32 @!p0 $0x88, s6;
	s7 =	simm.s32 @p2 $0x1082  }
0x22: {  	[simem:s7], [sflag:s8] =	dma.local @!p0 [hbm:s6], $0xF7A  }
0x23: {  	s9 =	sor.u32 $0xD0000000, s2;
	s6 =	simm.s32 $0x108;
	_ =	swait.ge @!p0 [sflag:s8], $0x0  }
0x24: {  	s3 =	sadd.s32 $0x88, s3;
	s6 =	simm.s32 @!p1 $0x1082;
	[sflag:s4] =	ssyncset.s32 $0xFFFFF086  }
0x25: {  	[simem:s6], [sflag:s4] =	dma.local [hbm:s3], $0xF7A  }
0x26: {  	[smem:$0x3F9B] =	sst s1;
	(tag) =	ssettag s2;
	_ =	strace s9  }
0x27: {  	s1 =	sld [smem:$0x3FAB]  }
0x28: {  	s2 =	sld [smem:$0x3FAC]  }
0x29: {  	s4 =	sld [smem:$0x3FAE]  }
0x2a: {  	p0 =	seq.s32 s5, $0x0;
	s5 =	sld [smem:$0x3FAF]  }
0x2b: {  	s6 =	sld [smem:$0x3FB0]  }
0x2c: {  	s7 =	sld [smem:$0x3FB1]  }
0x2d: {  	s3 =	simm.s32 $0x108;
	s8 =	sld [smem:$0x3FB2]  }
0x2e: {  	s3 =	simm.s32 @!p0 $0x1082;
	s9 =	sld [smem:$0x3FB3]  }
0x2f: {  	lr =	sadd.s32 s0, s3;
	s0 =	sld [smem:$0x3FAA]  }
0x30: {  	s3 =	sld [smem:$0x3FAD]  }
0x31: {  	[smem:$0x3FB6] =	sst s10  }
0x32: {  	s10 =	sld [smem:$0x3FB4];
	_ =	sdelay $0x3  }
0x33: {  	p0 =	seq.s32 s10, $0x1;
	s10 =	sld [smem:$0x3FB6];
	_ =	sdelay $0x3  }
0x34: {  	[smem:$0x3FB6] =	sst s10  }
0x35: {  	s10 =	sld [smem:$0x3FB5];
	_ =	sdelay $0x3  }
0x36: {  	p1 =	seq.s32 s10, $0x1;
	s10 =	sld [smem:$0x3FB6];
	_ =	sdelay $0x3  }
0x37: {  	[smem:$0x3FB6] =	sst s10  }
0x38: {  	s10 =	sld [smem:$0x3FB7]  }
0x39: {  	_ = 	snop;
	(pc) =	sbr.ind lr, $3  }
0x3a: {  	_ = 	snop  }
0x3b: {  	_ = 	snop  }
0x3c: {  	p2 =	seq.s32 s10, $0x1;
	s10 =	sld [smem:$0x3FB6]  }
0x3d: {  	_ =	shalt  }
0x3e: {  	_ =	shalt  }
0x3f: {  	_ =	shalt  }
0x40: {  	_ =	shalt  }
0x41: {  	_ =	shalt  }
0x42: {  	_ =	shalt  }
0x43: {  	_ =	shalt  }
0x44: {  	_ =	shalt  }
0x45: {  	_ =	shalt  }
0x46: {  	_ =	shalt  }
0x47: {  	_ =	shalt  }
0x48: {  	_ =	shalt  }
0x49: {  	_ =	shalt  }
0x4a: {  	_ =	shalt  }
0x4b: {  	_ =	shalt  }
0x4c: {  	_ =	shalt  }
0x4d: {  	_ =	shalt  }
0x4e: {  	_ =	shalt  }
0x4f: {  	_ =	shalt  }
0x50: {  	_ =	shalt  }
0x51: {  	_ =	shalt  }
0x52: {  	_ =	shalt  }
0x53: {  	_ =	shalt  }
0x54: {  	_ =	shalt  }
0x55: {  	_ =	shalt  }
0x56: {  	_ =	shalt  }
0x57: {  	_ =	shalt  }
0x58: {  	_ =	shalt  }
0x59: {  	_ =	shalt  }
0x5a: {  	_ =	shalt  }
0x5b: {  	_ =	shalt  }
0x5c: {  	_ =	shalt  }
0x5d: {  	_ =	shalt  }
0x5e: {  	_ =	shalt  }
0x5f: {  	_ =	shalt  }
0x60: {  	_ =	shalt  }
0x61: {  	_ =	shalt  }
0x62: {  	_ =	shalt  }
0x63: {  	_ =	shalt  }
0x64: {  	_ =	shalt  }
0x65: {  	_ =	shalt  }
0x66: {  	_ =	shalt  }
0x67: {  	_ =	shalt  }
0x68: {  	_ =	shalt  }
0x69: {  	_ =	shalt  }
0x6a: {  	_ =	shalt  }
0x6b: {  	_ =	shalt  }
0x6c: {  	_ =	shalt  }
0x6d: {  	_ =	shalt  }
0x6e: {  	_ =	shalt  }
0x6f: {  	_ =	shalt  }
0x70: {  	_ =	shalt  }
0x71: {  	_ =	shalt  }
0x72: {  	_ =	shalt  }
0x73: {  	_ =	shalt  }
0x74: {  	_ =	shalt  }
0x75: {  	_ =	shalt  }
0x76: {  	_ =	shalt  }
0x77: {  	_ =	shalt  }
0x78: {  	_ =	shalt  }
0x79: {  	_ =	shalt  }
0x7a: {  	_ =	shalt  }
0x7b: {  	_ =	shalt  }
0x7c: {  	_ =	shalt  }
0x7d: {  	_ =	shalt  }
0x7e: {  	_ =	shalt  }
0x7f: {  	_ =	shalt  }
0x80: {  	_ =	shalt  }
0x81: {  	_ =	shalt  }
0x82: {  	_ =	shalt  }
0x83: {  	_ =	shalt  }
0x84: {  	_ =	shalt  }
0x85: {  	_ =	shalt  }
0x86: {  	_ =	shalt  }
0x87: {  	_ =	shalt  }
.Lfunc_end0:
.L_simem_size_0:
called_computation_lowered:
.L_overlay_start_0:
0x88: {  	s2 =	sld [smem:$0x3FD9]  }
0x89: {  	s3 =	sld [smem:$0x3FFE];
	_ =	sdelay $0x1  }
0x8a: {  	s1 =	srdreg.scid  }
0x8b: {  	s0 =	sand.u32 $0x1, s1  }
0x8c: {  	s17 =	sshll.u32 s0, $0xA;
	s2 =	sadd.s32 s3, s2  }
0x8d: {  	s2 =	sadd.s32 s2, s17  }
0x8e: {  	[smem:$0x3FC2] =	sst s2  }
0x8f: {  	_ = 	snop  }
0x90: {  	s2 =	sld [smem:$0x3FD0];
	(tm) =	ssettm $0x1  }
0x91: {  	s18 =	sld [smem:$0x3FFB];
	_ =	sdelay $0x3  }
0x92: {  	_ =	strace s18  }
0x93: {  	s3 =	sld [smem:$0x3FFC];
	_ =	sdelay $0x3  }
0x94: {  	_ =	strace s3  }
0x95: {  	s3 =	sld [smem:$0x3FFD];
	_ =	sdelay $0x3  }
0x96: {  	_ =	strace s3  }
0x97: {  	_ =	strace $0x8FFFFFFF  }
0x98: {  	s19 =	sld [smem:$0x3FDB];
	_ =	sdelay $0x1  }
0x99: {  	s4 =	simm.s32 $_scs_section_size  }
0x9a: {  	s5 =	simm.s32 $_size__tile_overlayer_lowered;
	s6 =	simm.s32 $_tile_overlayer_lowered  }
0x9b: {  	s22 =	simm.s32 $0x1BFF;
	s21 =	sshll.u32 s6, $0x1;
	s3 =	sadd.s32 s4, s19  }
0x9c: {  	s7 =	simm.s32 $0x0;
	s20 =	sshll.u32 s5, $0x1;
	s5 =	sadd.s32 s21, s3  }
0x9d: {  	[timem:s7], [sflag:s22] =	dma.local [hbm:s5], s20  }
0x9e: {  	_ =	swait.ge [sflag:s22], s20  }
0x9f: {  	s4 =	ssub.s32 $0x0, s20;
	[sflag:s22] =	ssyncset.done $0x0  }
0xa0: {  	[sflag:s22] =	ssyncadd.s32 s4;
	_ =	sdelay $0x1  }
0xa1: {  	s23 =	simm.s32 $0x1B8B  }
0xa2: {  	_ =	swait.ge [sflag:s23], $0x1  }
0xa3: {  	[sflag:s23] =	ssyncset.done $0x0  }
0xa4: {  	s25 =	simm.s32 $0x1B8E;
	s24 =	sld [smem:$0x3FFE];
	[sflag:s23] =	ssyncadd.s32 $0xFFFFFFFF  }
0xa5: {  	s26 =	simm.s32 $execute0_lowered;
	[smem:$0x3FD2] =	sst s25  }
0xa6: {  	s5 =	sshll.u32 s26, $0x1;
	_ =	strace $0x80000046;
	[dreg:$0x1] =	wrdreg $0xFFFFFFFF  }
0xa7: {  	s28 =	simm.s32 $_size_execute0_lowered;
	s3 =	sadd.s32 s3, s5;
	[dreg:$0x0] =	wrdreg $0x0  }
0xa8: {  	s5 =	sshll.u32 s28, $0x1;
	[dreg:$0x2] =	wrdreg s3  }
0xa9: {  	[dreg:$0x3] =	wrdreg s5  }
0xaa: {  	[dreg:$0x4] =	wrdreg $0xC0  }
0xab: {  	_ =	task [dreg:s7], $0x5FFFF  }
0xac: {  	[dreg:$0x1] =	wrdreg $0xFFFFFFFF  }
0xad: {  	[dreg:$0x0] =	wrdreg $0x60  }
0xae: {  	[dreg:$0x2] =	wrdreg s24  }
0xaf: {  	[dreg:$0x3] =	wrdreg s2  }
0xb0: {  	[dreg:$0x4] =	wrdreg $0x68000  }
0xb1: {  	[dreg:$0x5] =	wrdreg $0x9  }
0xb2: {  	_ =	task.clear_ibuf [dreg:s7], $0x6FFFF;
	_ =	strace $0x90000046  }
0xb3: {  	s29 =	simm.s32 $0x9;
	_ =	strace $0x80000048  }
0xb4: {  	_ =	swait.ge [sflag:s29], $0x1  }
0xb5: {  	[sflag:s29] =	ssyncadd.s32 $0xFFFFFFFF  }
0xb6: {  	_ =	strace $0x90000048  }
0xb7: {  	_ =	sfence  }
0xb8: {  	s30 =	sld [smem:$0x0];
	_ =	sdelay $0x2  }
0xb9: {  	s31 =	sshll.u32 s1, $0xD;
	s1 =	sshrl.u32 s1, $0x2  }
0xba: {  	s3 =	sand.u32 $0x4000, s31;
	s1 =	sadd.s32 s1, s30  }
0xbb: {  	s0 =	sor.u32 s3, s0;
	s1 =	sshll.u32 s1, $0x11  }
0xbc: {  	s0 =	sor.u32 s1, s0  }
0xbd: {  	s0 =	sadd.s32 $0x8F2B, s0  }
0xbe: {  	[sflag:s0] =	ssyncadd.remote.s32 $0x1  }
0xbf: {  	_ =	sfence.sel $0xFFFF  }
0xc0: {  	[dreg:$0x0] =	wrdreg $0xFFFFFFFF;
	(pc) =	sbr.abs _section_cstart, $3  }
0xc1: {  	[dreg:$0x1] =	wrdreg $0xFFFFFFFF  }
0xc2: {  	_ =	task.clear_ibuf [dreg:s7], $0x2FFFF;
	_ =	strace $0x9FFFFFFF  }
0xc3: {  	(tm) =	ssettm $0x7FFFFFFF  }
tec
execute0_lowered:
.L_overlay_start_1:
0x0: {  	(tag) =	ssettag $0x1  }
0x1: {  	s6 =	rddreg [dreg:$0x0]  }
0x2: {  	s1 =	rddreg [dreg:$0x1]  }
0x3: {  	s3 =	rddreg [dreg:$0x2];
	s2 =	srdreg.scid  }
0x4: {  	s0 =	rddreg [dreg:$0x3];
	s4 =	simm.s32 $0x0;
	s13 =	simm.s32 $0x80  }
0x5: {  	s14 =	simm.s32 $0x1;
	s7 =	sand.u32 $0x1, s2;
	s2 =	stileid.u32  }
0x6: {  	s15 =	simm.s32 $0x0;
	[smem:$0x7FF] =	sst s4;
	s8 =	smul.u32 $0x13C000, s7  }
0x7: {  	s5 =	sshll.u32 s7, $0x4;
	s9 =	smul.u32 $0x13C00, s2;
	_ =	strace $0x80000047  }
0x8: {  	s10 =	smul.u32 $0x4F000, s2;
	s31 =	ssub.s32 $0x2, s7;
	s5 =	sor.u32 s2, s5  }
0x9: {  	s11 =	sshll.u32 s2, $0x6;
	s7 =	sshrl.u32 s31, $0x1;
	s5 =	smul.u32 $0x500, s5  }
0xa: {  	s8 =	sadd.s32 s9, s8;
	s10 =	sshrl.u32 s10, $0x2;
	s12 =	ssub.s32 s31, s7  }
0xb: {  	s8 =	sshrl.u32 s8, $0x3;
	s10 =	sadd.s32 s10, s3;
	s9 =	smax.u32 s12, $0x1  }
0xc: {  	s12 =	simm.s32 $0x2800;
	s30 =	sadd.s32 s5, s6;
	s5 =	sadd.s32 $0xCA00, s6  }
0xd: {  	s8 =	sadd.s32 s8, s6;
	s6 =	sor.u32 $0x1C02, s11;
	s10 =	sshrl.u32 s10, $0x3  }
0xe: {  	s11 =	simm.s32 $0x2;
	s7 =	sadd.s32 $0x2A00, s30;
	s8 =	sadd.s32 $0xF200, s8  }
.LBB2_1:
0xf: {  	[spmem:s10], [sflag:s6] =	dma.local [hbm:s5], $0x2780  }
0x10: {  	_ =	swait.ge [sflag:s11], $0x2780  }
0x11: {  	[sflag:s11] =	ssyncset.done $0x0  }
0x12: {  	[sflag:s11] =	ssyncadd.s32 $0xFFFFD880  }
0x13: {  	[tilespmem:s4], [sflag:$0x2] =	stream.linear.gather [hbm4b:s7+s4], $0x2800, $0x38;
	[tilespmem:$0x1A400] =	vst v63  }
0x14: {  	_ =	swait.ge [sflag:s11], $0x2800  }
0x15: {  	[sflag:s11] =	ssyncset.done $0x0  }
0x16: {  	[sflag:s11] =	ssyncadd.s32 $0xFFFFD800  }
0x17: {  	[tilespmem:s12], [sflag:$0x2] =	stream.linear.gather [hbm4b:s1+s4], $0x4000, $0x38;
	[tilespmem:$0x1A400] =	vst v63  }
0x18: {  	_ =	swait.ge [sflag:s11], $0x4000  }
0x19: {  	[sflag:s11] =	ssyncset.done $0x0  }
0x1a: {  	[sflag:s11] =	ssyncadd.s32 $0xFFFFC000  }
0x1b: {  	s16 =	simm.s32 $0x0;
	[bflag:$0x0] =	sbarrier.arrive $0xFFFF  }
.LBB2_2:
0x1c: {  	p0 =	sne.s32 s16, $0x9E00  }
.Ltmp0:
0x1d: {  	_ = 	snop;
	(pc) =	sbr.rel @p0 .LBB2_2-.Ltmp0, $3  }
0x1e: {  	_ =	sdelay $0x1  }
0x1f: {  	s17 =	sshra.s32 s16, $0x2;
	s16 =	sadd.s32 $0x200, s16  }
0x20: {  	[spmem:s3] =	stream.indirect.scatter.add.f32 [tilespmem:s12], [sflag:$0x1], $0x80, s17, s13, $0xb8;
	[tilespmem:$0x1A400] =	vst v63  }
0x21: {  	_ =	swait.ge [sflag:s14], $0x4000  }
0x22: {  	s16 =	simm.s32 $0x4F;
	[sflag:s14] =	ssyncset.done $0x0  }
.LBB2_4:
0x23: {  	p0 =	sne.s32 s16, $0x1;
	s16 =	sadd.s32 $0xFFFFFFFF, s16;
	[sflag:s14] =	ssyncadd.s32 $0xFFFFC000  }
.Ltmp1:
0x24: {  	(pc) =	sbr.rel @p0 .LBB2_4-.Ltmp1, $3  }
0x25: {  	_ =	sdelay $0x1  }
0x26: {  	_ =	swait.ge [sflag:s14], $0x4000  }
0x27: {  	[sflag:s14] =	ssyncset.done $0x0  }
0x28: {  	s15 =	sadd.s32 $0x1, s15  }
0x29: {  	[sflag:s14] =	ssyncadd.s32 $0xFFFFC000;
	p0 =	sne.s32 s15, s9  }
.Ltmp2:
0x2a: {  	[bflag:$0x0] =	sbarrier.arrive $0xFFFF;
	(pc) =	sbr.rel @p0 .LBB2_1-.Ltmp2, $4  }
0x2b: {  	[hbm:s8], [sflag:s6] =	dma.local [spmem:s10], $0x2780  }
0x2c: {  	_ =	swait.ge [sflag:s11], $0x2780  }
0x2d: {  	[sflag:s11] =	ssyncset.done $0x0  }
0x2e: {  	[sflag:s11] =	ssyncadd.s32 $0xFFFFD880  }
0x2f: {  	_ =	sfence.sel $0x180000  }
0x30: {  	[bflag:$0x0] =	sbarrier.arrive $0xFFFF  }
0x31: {  	p0 =	sne.s32 s2, $0x0;
	_ =	strace $0x90000047  }
0x32: {  	s0 =	sadd.s32 @!p0 $0x100000, s0;
	[bflag:$0x2] =	sbarrier.arrive $0xFFFF  }
0x33: {  	[sflag:s0] =	ssyncadd.tile.s32 @!p0 $0x1;
	_ =	shalt  }
.Lfunc_end2:
_tile_overlayer_lowered:
.L_overlay_start_2:
0x34: {  	(tag) =	ssettag $0x2  }
0x35: {  	s0 =	rddreg [dreg:$0x0];
	s2 =	stileid.u32  }
0x36: {  	s1 =	rddreg [dreg:$0x1];
	p0 =	sne.s32 s2, $0x0  }
0x37: {  	s3 =	rddreg [dreg:$0x2];
	[bflag:$0x3] =	sbarrier.arrive $0xFFFF;
	s2 =	simm.s32 @!p0 $0x1C02  }
0x38: {  	[timem:s3], [sflag:s2] =	dma.local @!p0 [hbm:s0], s1  }
0x39: {  	s0 =	simm.s32 @!p0 $0x2  }
0x3a: {  	_ =	swait.ge @!p0 [sflag:s0], s1  }
0x3b: {  	s1 =	ssub.s32 @!p0 $0x0, s1;
	[sflag:s0] =	ssyncset.done @!p0 $0x0  }
0x3c: {  	[sflag:s0] =	ssyncadd.s32 @!p0 s1  }
0x3d: {  	[bflag:$0x3] =	sbarrier.arrive $0xFFFF  }
0x3e: {  	_ =	shalt  }

</sc_bundles>
